<compile_context>
chip_gen: v7x
topology: tpu7x:2x2x1
jax: 0.10.2.dev20260603
libtpu: 0.0.44.dev20260713+nightly
codegen_flags: <defaults>
</compile_context>

<pallas_src>
import functools
import math

import numpy as np
import jax
import jax.numpy as jnp
from jax import lax
from jax.experimental import pallas as pl
from jax.experimental.pallas import tpu as pltpu

B, T, D = 1, 2048, 768
H = 12
DH = D // H
D_IDX = 64
N_IDX_H = 4
K_SEL = 64

QBLK = 256
NQB = T // QBLK

_SCALE_ATT = DH ** (-0.5)
_SCALE_IDX = 1.0 / math.sqrt(D_IDX)
_NEG = -1e30


def _rope_tables():
    inv_freq = 1.0 / (10000.0 ** (np.arange(0, DH, 2, dtype=np.float32) / np.float32(DH)))
    t = np.arange(T, dtype=np.float32)
    freqs = np.outer(t, inv_freq)
    emb = np.concatenate([freqs, freqs], axis=-1)
    return np.cos(emb).astype(np.float32), np.sin(emb).astype(np.float32)

_COS_NP, _SIN_NP = _rope_tables()


def _proj_body(x_ref, wq_ref, wk_ref, wv_ref, wvg_ref, wog_ref, wiq_ref, wik_ref,
               wiw_ref, biw_ref, bvg_ref, bog_ref, cos_ref, sin_ref,
               q_ref, k_ref, v_ref, og_ref, qi_ref, ki_ref, ws_ref):
    x = x_ref[...]
    f32 = jnp.float32

    def mm(w_ref):
        return jax.lax.dot_general(x, w_ref[...], (((1,), (0,)), ((), ())),
                                   preferred_element_type=f32)

    cos = cos_ref[...]
    sin = sin_ref[...]

    def rope(a):
        a3 = a.reshape(QBLK, H, DH)
        rot = jnp.concatenate([-a3[..., DH // 2:], a3[..., :DH // 2]], axis=-1)
        c = cos.reshape(QBLK, 1, DH)
        s = sin.reshape(QBLK, 1, DH)
        return (a3 * c + rot * s).reshape(QBLK, D)

    q_ref[...] = rope(mm(wq_ref))
    k_ref[...] = rope(mm(wk_ref))
    vgate = jax.nn.sigmoid(mm(wvg_ref) + bvg_ref[...])
    v_ref[...] = mm(wv_ref) * vgate
    og_ref[...] = jax.nn.sigmoid(mm(wog_ref) + bog_ref[...])
    qi_ref[...] = mm(wiq_ref)
    ki_ref[...] = mm(wik_ref)
    ws_ref[...] = jax.nn.sigmoid(mm(wiw_ref) + biw_ref[...])


def _scores_body(qi_ref, ki_ref, ws_ref, bias_ref, out_ref):
    qb = pl.program_id(0)
    kb = pl.program_id(1)

    @pl.when(kb <= qb)
    def _():
        ki = ki_ref[...]
        ws = ws_ref[...]
        acc = jnp.zeros((QBLK, QBLK), jnp.float32)
        for h in range(N_IDX_H):
            qh = qi_ref[:, h * D_IDX:(h + 1) * D_IDX]
            raw = jax.lax.dot_general(qh, ki, (((1,), (1,)), ((), ())),
                                      preferred_element_type=jnp.float32)
            g = jax.nn.sigmoid(raw * _SCALE_IDX + bias_ref[0, h])
            acc = acc + g * ws[:, h:h + 1]
        rows = qb * QBLK + lax.broadcasted_iota(jnp.int32, (QBLK, QBLK), 0)
        cols = kb * QBLK + lax.broadcasted_iota(jnp.int32, (QBLK, QBLK), 1)
        out_ref[...] = jnp.where(cols > rows, -jnp.inf, acc)

    @pl.when(kb > qb)
    def _():
        out_ref[...] = jnp.full((QBLK, QBLK), -jnp.inf, jnp.float32)


def _attn_body(q_ref, k_ref, v_ref, mask_ref, og_ref, wo_ref, out_ref):
    q = q_ref[...]
    mask = mask_ref[...] > 0
    outs = []
    for h in range(H):
        sl = slice(h * DH, (h + 1) * DH)
        qh = q[:, sl]
        kh = k_ref[:, sl]
        s = jax.lax.dot_general(qh, kh, (((1,), (1,)), ((), ())),
                                preferred_element_type=jnp.float32) * _SCALE_ATT
        s = jnp.where(mask, s, _NEG)
        m = jnp.max(s, axis=1, keepdims=True)
        p = jnp.exp(s - m)
        p = jnp.where(mask, p, 0.0)
        denom = jnp.sum(p, axis=1, keepdims=True)
        p = p / denom
        oh = jax.lax.dot_general(p, v_ref[:, sl], (((1,), (0,)), ((), ())),
                                 preferred_element_type=jnp.float32)
        outs.append(oh)
    out = jnp.concatenate(outs, axis=1) * og_ref[...]
    out_ref[...] = jax.lax.dot_general(out, wo_ref[...], (((1,), (0,)), ((), ())),
                                       preferred_element_type=jnp.float32)


def kernel(x, Wq, Wk, Wv, Wo, W_idx_q, W_idx_k, W_idx_w, b_idx_w, idx_bias,
           W_vg, b_vg, W_og, b_og):
    f32 = jnp.float32
    x2 = x.reshape(T, D)
    cos = jnp.asarray(_COS_NP)
    sin = jnp.asarray(_SIN_NP)

    WqT, WkT, WvT = Wq.T, Wk.T, Wv.T
    WvgT, WogT = W_vg.T, W_og.T
    WiqT, WikT = W_idx_q.T, W_idx_k.T
    WiwT = jnp.zeros((D, 128), f32).at[:, :N_IDX_H].set(W_idx_w.T)
    biw = jnp.zeros((1, 128), f32).at[0, :N_IDX_H].set(b_idx_w)
    bias = jnp.zeros((1, 128), f32).at[0, :N_IDX_H].set(idx_bias)
    bvg = b_vg.reshape(1, D)
    bog = b_og.reshape(1, D)

    row_spec = pl.BlockSpec((QBLK, D), lambda i: (i, 0))
    full = lambda shape: pl.BlockSpec(shape, lambda i: (0,) * len(shape))

    q, k, v, og, qi, ki, ws = pl.pallas_call(
        _proj_body,
        grid=(NQB,),
        in_specs=[
            row_spec,
            full((D, D)), full((D, D)), full((D, D)), full((D, D)), full((D, D)),
            full((D, N_IDX_H * D_IDX)), full((D, D_IDX)), full((D, 128)),
            full((1, 128)), full((1, D)), full((1, D)),
            pl.BlockSpec((QBLK, DH), lambda i: (i, 0)),
            pl.BlockSpec((QBLK, DH), lambda i: (i, 0)),
        ],
        out_specs=[
            row_spec, row_spec, row_spec, row_spec,
            pl.BlockSpec((QBLK, N_IDX_H * D_IDX), lambda i: (i, 0)),
            pl.BlockSpec((QBLK, D_IDX), lambda i: (i, 0)),
            pl.BlockSpec((QBLK, 128), lambda i: (i, 0)),
        ],
        out_shape=[
            jax.ShapeDtypeStruct((T, D), f32),
            jax.ShapeDtypeStruct((T, D), f32),
            jax.ShapeDtypeStruct((T, D), f32),
            jax.ShapeDtypeStruct((T, D), f32),
            jax.ShapeDtypeStruct((T, N_IDX_H * D_IDX), f32),
            jax.ShapeDtypeStruct((T, D_IDX), f32),
            jax.ShapeDtypeStruct((T, 128), f32),
        ],
    )(x2, WqT, WkT, WvT, WvgT, WogT, WiqT, WikT, WiwT, biw, bvg, bog, cos, sin)

    scores = pl.pallas_call(
        _scores_body,
        grid=(NQB, NQB),
        in_specs=[
            pl.BlockSpec((QBLK, N_IDX_H * D_IDX), lambda i, j: (i, 0)),
            pl.BlockSpec((QBLK, D_IDX), lambda i, j: (j, 0)),
            pl.BlockSpec((QBLK, 128), lambda i, j: (i, 0)),
            pl.BlockSpec((1, 128), lambda i, j: (0, 0)),
        ],
        out_specs=pl.BlockSpec((QBLK, QBLK), lambda i, j: (i, j)),
        out_shape=jax.ShapeDtypeStruct((T, T), f32),
    )(qi, ki, ws, bias)

    sf = jnp.where(jnp.isneginf(scores), -1e9, scores)
    _, idx = jax.lax.top_k(sf, K_SEL)
    gathered = jnp.take_along_axis(scores, idx, axis=-1)
    valid = jnp.logical_not(jnp.isneginf(gathered))
    rows = jnp.arange(T, dtype=jnp.int32)[:, None]
    mask = jnp.zeros((T, T), f32).at[rows, idx].max(valid.astype(f32))

    out = pl.pallas_call(
        _attn_body,
        grid=(NQB,),
        in_specs=[
            row_spec,
            full((T, D)), full((T, D)),
            pl.BlockSpec((QBLK, T), lambda i: (i, 0)),
            row_spec,
            full((D, D)),
        ],
        out_specs=row_spec,
        out_shape=jax.ShapeDtypeStruct((T, D), f32),
    )(q, k, v, mask, og, Wo.T)

    return out.reshape(B, T, D)

# --- scband reference (transcript-rebuilt; emitter-appended) ---
"""Pipeline reference for scband-gated-sparse-attention-40535901340240 (READ-ONLY COPY).

The authoritative reference and input builder live on the scoring server;
editing this copy changes nothing except your own understanding.
"""

import math
import jax, jax.numpy as jnp
import numpy as np

B, T, D = 1, 2048, 768
H = 12
DH = D // H
D_IDX = 64
N_IDX_H = 4
K_SEL = 64
K_MAX = 4096


def _rotate_half(x):
    h = x.shape[-1] // 2
    return jnp.concatenate([-x[..., h:], x[..., :h]], axis=-1)


def _rotary_cos_sin(seq_len, dim):
    inv_freq = 1.0 / (10000.0 ** (np.arange(0, dim, 2, dtype=np.float32) / np.float32(dim)))
    t = np.arange(seq_len, dtype=np.float32)
    freqs = np.outer(t, inv_freq)
    emb = np.concatenate([freqs, freqs], axis=-1)
    return jnp.asarray(np.cos(emb), dtype=jnp.float32), jnp.asarray(np.sin(emb), dtype=jnp.float32)


def setup_inputs(seed: int = 0):
    key = jax.random.key(seed)
    ks = jax.random.split(key, 11)
    def w(k, shape, scale=0.02):
        return jax.random.normal(k, shape, dtype=jnp.float32) * scale
    return {
        "x": jax.random.normal(ks[0], (B, T, D), dtype=jnp.float32),
        "Wq": w(ks[1], (D, D)),
        "Wk": w(ks[2], (D, D)),
        "Wv": w(ks[3], (D, D)),
        "Wo": w(ks[4], (D, D)),
        "W_idx_q": w(ks[5], (N_IDX_H * D_IDX, D)),
        "W_idx_k": w(ks[6], (D_IDX, D)),
        "W_idx_w": w(ks[7], (N_IDX_H, D), 0.002),
        "b_idx_w": jnp.zeros((N_IDX_H,), dtype=jnp.float32),
        "idx_bias": jnp.zeros((N_IDX_H,), dtype=jnp.float32),
        "W_vg": w(ks[8], (D, D)),
        "b_vg": jnp.full((D,), 0.5, dtype=jnp.float32),
        "W_og": w(ks[9], (D, D)),
        "b_og": jnp.full((D,), 0.5, dtype=jnp.float32),
    }


def _forward(x, Wq, Wk, Wv, Wo, W_idx_q, W_idx_k, W_idx_w, b_idx_w, idx_bias, W_vg, b_vg, W_og, b_og):
    scale = DH ** (-0.5)
    q = (x @ Wq.T).reshape(B, T, H, DH)
    k = (x @ Wk.T).reshape(B, T, H, DH)
    v = (x @ Wv.T).reshape(B, T, H, DH)
    cos, sin = _rotary_cos_sin(T, DH)
    cos = cos[None, :, None, :]
    sin = sin[None, :, None, :]
    q = q * cos + _rotate_half(q) * sin
    k = k * cos + _rotate_half(k) * sin
    # ValueGate (G2)
    v = v * jax.nn.sigmoid(x @ W_vg.T + b_vg).reshape(B, T, H, DH)
    # GatedLightningIndexer
    q_idx = (x @ W_idx_q.T).reshape(B, T, N_IDX_H, D_IDX).astype(jnp.float32)
    k_idx = (x @ W_idx_k.T).astype(jnp.float32)
    w_lin = x @ W_idx_w.T + b_idx_w
    raw = jnp.einsum('bqhd,bkd->bhqk', q_idx, k_idx) * (1.0 / math.sqrt(D_IDX))
    gated = jax.nn.sigmoid(raw + idx_bias.reshape(1, -1, 1, 1))
    w_sig = jnp.transpose(jax.nn.sigmoid(w_lin), (0, 2, 1))[..., None]
    final_scores = jnp.sum(gated * w_sig, axis=1)
    causal = jnp.triu(jnp.ones((T, T), dtype=bool), k=1)
    final_scores = jnp.where(causal[None, :, :], -jnp.inf, final_scores)
    # AdaptiveTopKSelector
    k_eff = min(K_SEL, K_MAX, T)
    scores_for_topk = jnp.where(jnp.isneginf(final_scores), -1e9, final_scores)
    _, indices = jax.lax.top_k(scores_for_topk, k_eff)
    gathered_scores = jnp.take_along_axis(final_scores, indices, axis=-1)
    sel_mask = jnp.logical_not(jnp.isneginf(gathered_scores))
    # sparse_attention_ref
    idx = jnp.clip(indices, 0, T - 1)
    k_g = jax.vmap(lambda kb, ib: kb[ib])(k, idx)  # [B,T,k_eff,H,DH]
    v_g = jax.vmap(lambda vb, ib: vb[ib])(v, idx)
    att = jnp.einsum('bqhd,bqkhd->bqhk', q, k_g) * scale
    m = sel_mask[:, :, None, :]
    att = jnp.where(m, att, -jnp.inf)
    attn = jax.nn.softmax(att, axis=-1)
    attn = jnp.where(m, attn, 0.0)
    attn = jnp.nan_to_num(attn, nan=0.0)
    out = jnp.einsum('bqhk,bqkhd->bqhd', attn, v_g)
    # OutputGate (G1)
    out = out * jax.nn.sigmoid(x @ W_og.T + b_og).reshape(B, T, H, DH)
    return out.reshape(B, T, D) @ Wo.T


def reference(x, Wq, Wk, Wv, Wo, W_idx_q, W_idx_k, W_idx_w, b_idx_w, idx_bias, W_vg, b_vg, W_og, b_og):
    return _forward(x, Wq, Wk, Wv, Wo, W_idx_q, W_idx_k, W_idx_w, b_idx_w, idx_bias, W_vg, b_vg, W_og, b_og)

if __name__ == "__main__":
    import jax
    _d = setup_inputs()
    print(jax.jit(kernel)(*tuple(_d.values())))

</pallas_src>

<mosaic_0001>
module attributes {stable_mosaic.version = 14 : i64} {
  func.func @_proj_body(%arg0: i32, %arg1: memref<256x768xf32, #tpu.memory_space<vmem>>, %arg2: memref<768x768xf32, #tpu.memory_space<vmem>>, %arg3: memref<768x768xf32, #tpu.memory_space<vmem>>, %arg4: memref<768x768xf32, #tpu.memory_space<vmem>>, %arg5: memref<768x768xf32, #tpu.memory_space<vmem>>, %arg6: memref<768x768xf32, #tpu.memory_space<vmem>>, %arg7: memref<768x256xf32, #tpu.memory_space<vmem>>, %arg8: memref<768x64xf32, #tpu.memory_space<vmem>>, %arg9: memref<768x128xf32, #tpu.memory_space<vmem>>, %arg10: memref<1x128xf32, #tpu.memory_space<vmem>>, %arg11: memref<1x768xf32, #tpu.memory_space<vmem>>, %arg12: memref<1x768xf32, #tpu.memory_space<vmem>>, %arg13: memref<256x64xf32, #tpu.memory_space<vmem>>, %arg14: memref<256x64xf32, #tpu.memory_space<vmem>>, %arg15: memref<256x768xf32, #tpu.memory_space<vmem>>, %arg16: memref<256x768xf32, #tpu.memory_space<vmem>>, %arg17: memref<256x768xf32, #tpu.memory_space<vmem>>, %arg18: memref<256x768xf32, #tpu.memory_space<vmem>>, %arg19: memref<256x256xf32, #tpu.memory_space<vmem>>, %arg20: memref<256x64xf32, #tpu.memory_space<vmem>>, %arg21: memref<256x128xf32, #tpu.memory_space<vmem>>) attributes {dimension_semantics = [#tpu.dimension_semantics<arbitrary>], iteration_bounds = array<i64: 8>, scalar_prefetch = 0 : i64, scratch_operands = 0 : i64, tpu.core_type = #tpu.core_type<tc>, window_params = [{transform_indices = @transform_0, window_bounds = array<i64: 256, 768>}, {pipeline_mode = #tpu.pipeline_mode<synchronous>, transform_indices = @transform_1, window_bounds = array<i64: 768, 768>}, {pipeline_mode = #tpu.pipeline_mode<synchronous>, transform_indices = @transform_2, window_bounds = array<i64: 768, 768>}, {pipeline_mode = #tpu.pipeline_mode<synchronous>, transform_indices = @transform_3, window_bounds = array<i64: 768, 768>}, {pipeline_mode = #tpu.pipeline_mode<synchronous>, transform_indices = @transform_4, window_bounds = array<i64: 768, 768>}, {pipeline_mode = #tpu.pipeline_mode<synchronous>, transform_indices = @transform_5, window_bounds = array<i64: 768, 768>}, {pipeline_mode = #tpu.pipeline_mode<synchronous>, transform_indices = @transform_6, window_bounds = array<i64: 768, 256>}, {pipeline_mode = #tpu.pipeline_mode<synchronous>, transform_indices = @transform_7, window_bounds = array<i64: 768, 64>}, {pipeline_mode = #tpu.pipeline_mode<synchronous>, transform_indices = @transform_8, window_bounds = array<i64: 768, 128>}, {pipeline_mode = #tpu.pipeline_mode<synchronous>, transform_indices = @transform_9, window_bounds = array<i64: 1, 128>}, {pipeline_mode = #tpu.pipeline_mode<synchronous>, transform_indices = @transform_10, window_bounds = array<i64: 1, 768>}, {pipeline_mode = #tpu.pipeline_mode<synchronous>, transform_indices = @transform_11, window_bounds = array<i64: 1, 768>}, {transform_indices = @transform_12, window_bounds = array<i64: 256, 64>}, {transform_indices = @transform_13, window_bounds = array<i64: 256, 64>}, {transform_indices = @transform_14, window_bounds = array<i64: 256, 768>}, {transform_indices = @transform_15, window_bounds = array<i64: 256, 768>}, {transform_indices = @transform_16, window_bounds = array<i64: 256, 768>}, {transform_indices = @transform_17, window_bounds = array<i64: 256, 768>}, {transform_indices = @transform_18, window_bounds = array<i64: 256, 256>}, {transform_indices = @transform_19, window_bounds = array<i64: 256, 64>}, {transform_indices = @transform_20, window_bounds = array<i64: 256, 128>}]} {
    %get3A = arith.constant 0 : index
    %get3A_0 = arith.constant 0 : index
    %get3A_1 = vector.load %arg1[%get3A, %get3A_0] : memref<256x768xf32, #tpu.memory_space<vmem>>, vector<256x768xf32>
    %get3A_2 = arith.constant 0 : index
    %get3A_3 = arith.constant 0 : index
    %get3A_4 = vector.load %arg13[%get3A_2, %get3A_3] : memref<256x64xf32, #tpu.memory_space<vmem>>, vector<256x64xf32>
    %get3A_5 = arith.constant 0 : index
    %get3A_6 = arith.constant 0 : index
    %get3A_7 = vector.load %arg14[%get3A_5, %get3A_6] : memref<256x64xf32, #tpu.memory_space<vmem>>, vector<256x64xf32>
    %get3A_8 = arith.constant 0 : index
    %get3A_9 = arith.constant 0 : index
    %get3A_10 = vector.load %arg2[%get3A_8, %get3A_9] : memref<768x768xf32, #tpu.memory_space<vmem>>, vector<768x768xf32>
    %dot_general3A = arith.constant dense<0.000000e+00> : vector<256x768xf32>
    %dot_general3A_11 = tpu.matmul %get3A_1, %get3A_10, %dot_general3A {dimension_numbers = #tpu.dot_dimension_numbers<[1], [0], [0], [1], [0, 0, 1, 1], [], []>, transpose_lhs_hint = false} : vector<256x768xf32>, vector<768x768xf32>, vector<256x768xf32> -> vector<256x768xf32>
    %reshape3A = vector.shape_cast %dot_general3A_11 : vector<256x768xf32> to vector<256x12x64xf32>
    %slice3A = vector.extract_strided_slice %reshape3A {offsets = [0, 0, 32], sizes = [256, 12, 32], strides = [1, 1, 1]} : vector<256x12x64xf32> to vector<256x12x32xf32>
    %neg3A = arith.constant 0.000000e+00 : f32
    %neg3A_12 = vector.broadcast %neg3A : f32 to vector<256x12x32xf32>
    %neg3A_13 = arith.subf %neg3A_12, %slice3A : vector<256x12x32xf32>
    %slice3A_14 = vector.extract_strided_slice %reshape3A {offsets = [0, 0, 0], sizes = [256, 12, 32], strides = [1, 1, 1]} : vector<256x12x64xf32> to vector<256x12x32xf32>
    %concatenate3A = tpu.concatenate %neg3A_13, %slice3A_14 in 2 : vector<256x12x32xf32>, vector<256x12x32xf32> -> vector<256x12x64xf32>
    %reshape3A_15 = vector.shape_cast %get3A_4 : vector<256x64xf32> to vector<256x1x64xf32>
    %reshape3A_16 = vector.shape_cast %get3A_7 : vector<256x64xf32> to vector<256x1x64xf32>
    %mul3A = vector.broadcast %reshape3A_15 : vector<256x1x64xf32> to vector<256x12x64xf32>
    %mul3A_17 = arith.mulf %reshape3A, %mul3A : vector<256x12x64xf32>
    %mul3A_18 = vector.broadcast %reshape3A_16 : vector<256x1x64xf32> to vector<256x12x64xf32>
    %mul3A_19 = arith.mulf %concatenate3A, %mul3A_18 : vector<256x12x64xf32>
    %add3A = arith.addf %mul3A_17, %mul3A_19 : vector<256x12x64xf32>
    %reshape3A_20 = vector.shape_cast %add3A : vector<256x12x64xf32> to vector<256x768xf32>
    %swap3A = arith.constant 0 : index
    %swap3A_21 = arith.constant 0 : index
    %swap3A_22 = vector.load %arg15[%swap3A, %swap3A_21] : memref<256x768xf32, #tpu.memory_space<vmem>>, vector<256x768xf32>
    tpu.vector_store %arg15[%swap3A, %swap3A_21], %reshape3A_20 {strides = array<i32>} : memref<256x768xf32, #tpu.memory_space<vmem>>, vector<256x768xf32>,
    %get3A_23 = arith.constant 0 : index
    %get3A_24 = arith.constant 0 : index
    %get3A_25 = vector.load %arg3[%get3A_23, %get3A_24] : memref<768x768xf32, #tpu.memory_space<vmem>>, vector<768x768xf32>
    %dot_general3A_26 = arith.constant dense<0.000000e+00> : vector<256x768xf32>
    %dot_general3A_27 = tpu.matmul %get3A_1, %get3A_25, %dot_general3A_26 {dimension_numbers = #tpu.dot_dimension_numbers<[1], [0], [0], [1], [0, 0, 1, 1], [], []>, transpose_lhs_hint = false} : vector<256x768xf32>, vector<768x768xf32>, vector<256x768xf32> -> vector<256x768xf32>
    %reshape3A_28 = vector.shape_cast %dot_general3A_27 : vector<256x768xf32> to vector<256x12x64xf32>
    %slice3A_29 = vector.extract_strided_slice %reshape3A_28 {offsets = [0, 0, 32], sizes = [256, 12, 32], strides = [1, 1, 1]} : vector<256x12x64xf32> to vector<256x12x32xf32>
    %neg3A_30 = arith.constant 0.000000e+00 : f32
    %neg3A_31 = vector.broadcast %neg3A_30 : f32 to vector<256x12x32xf32>
    %neg3A_32 = arith.subf %neg3A_31, %slice3A_29 : vector<256x12x32xf32>
    %slice3A_33 = vector.extract_strided_slice %reshape3A_28 {offsets = [0, 0, 0], sizes = [256, 12, 32], strides = [1, 1, 1]} : vector<256x12x64xf32> to vector<256x12x32xf32>
    %concatenate3A_34 = tpu.concatenate %neg3A_32, %slice3A_33 in 2 : vector<256x12x32xf32>, vector<256x12x32xf32> -> vector<256x12x64xf32>
    %reshape3A_35 = vector.shape_cast %get3A_4 : vector<256x64xf32> to vector<256x1x64xf32>
    %reshape3A_36 = vector.shape_cast %get3A_7 : vector<256x64xf32> to vector<256x1x64xf32>
    %mul3A_37 = vector.broadcast %reshape3A_35 : vector<256x1x64xf32> to vector<256x12x64xf32>
    %mul3A_38 = arith.mulf %reshape3A_28, %mul3A_37 : vector<256x12x64xf32>
    %mul3A_39 = vector.broadcast %reshape3A_36 : vector<256x1x64xf32> to vector<256x12x64xf32>
    %mul3A_40 = arith.mulf %concatenate3A_34, %mul3A_39 : vector<256x12x64xf32>
    %add3A_41 = arith.addf %mul3A_38, %mul3A_40 : vector<256x12x64xf32>
    %reshape3A_42 = vector.shape_cast %add3A_41 : vector<256x12x64xf32> to vector<256x768xf32>
    %swap3A_43 = arith.constant 0 : index
    %swap3A_44 = arith.constant 0 : index
    %swap3A_45 = vector.load %arg16[%swap3A_43, %swap3A_44] : memref<256x768xf32, #tpu.memory_space<vmem>>, vector<256x768xf32>
    tpu.vector_store %arg16[%swap3A_43, %swap3A_44], %reshape3A_42 {strides = array<i32>} : memref<256x768xf32, #tpu.memory_space<vmem>>, vector<256x768xf32>,
    %get3A_46 = arith.constant 0 : index
    %get3A_47 = arith.constant 0 : index
    %get3A_48 = vector.load %arg5[%get3A_46, %get3A_47] : memref<768x768xf32, #tpu.memory_space<vmem>>, vector<768x768xf32>
    %dot_general3A_49 = arith.constant dense<0.000000e+00> : vector<256x768xf32>
    %dot_general3A_50 = tpu.matmul %get3A_1, %get3A_48, %dot_general3A_49 {dimension_numbers = #tpu.dot_dimension_numbers<[1], [0], [0], [1], [0, 0, 1, 1], [], []>, transpose_lhs_hint = false} : vector<256x768xf32>, vector<768x768xf32>, vector<256x768xf32> -> vector<256x768xf32>
    %get3A_51 = arith.constant 0 : index
    %get3A_52 = arith.constant 0 : index
    %get3A_53 = vector.load %arg11[%get3A_51, %get3A_52] : memref<1x768xf32, #tpu.memory_space<vmem>>, vector<1x768xf32>
    %add3A_54 = vector.broadcast %get3A_53 : vector<1x768xf32> to vector<256x768xf32>
    %add3A_55 = arith.addf %dot_general3A_50, %add3A_54 : vector<256x768xf32>
    %logistic3A = arith.negf %add3A_55 : vector<256x768xf32>
    %logistic3A_56 = math.exp %logistic3A : vector<256x768xf32>
    %logistic3A_57 = arith.constant 1.000000e+00 : f32
    %logistic3A_58 = vector.broadcast %logistic3A_57 : f32 to vector<256x768xf32>
    %logistic3A_59 = arith.addf %logistic3A_58, %logistic3A_56 : vector<256x768xf32>
    %logistic3A_60 = arith.divf %logistic3A_58, %logistic3A_59 : vector<256x768xf32>
    %get3A_61 = arith.constant 0 : index
    %get3A_62 = arith.constant 0 : index
    %get3A_63 = vector.load %arg4[%get3A_61, %get3A_62] : memref<768x768xf32, #tpu.memory_space<vmem>>, vector<768x768xf32>
    %dot_general3A_64 = arith.constant dense<0.000000e+00> : vector<256x768xf32>
    %dot_general3A_65 = tpu.matmul %get3A_1, %get3A_63, %dot_general3A_64 {dimension_numbers = #tpu.dot_dimension_numbers<[1], [0], [0], [1], [0, 0, 1, 1], [], []>, transpose_lhs_hint = false} : vector<256x768xf32>, vector<768x768xf32>, vector<256x768xf32> -> vector<256x768xf32>
    %mul3A_66 = arith.mulf %dot_general3A_65, %logistic3A_60 : vector<256x768xf32>
    %swap3A_67 = arith.constant 0 : index
    %swap3A_68 = arith.constant 0 : index
    %swap3A_69 = vector.load %arg17[%swap3A_67, %swap3A_68] : memref<256x768xf32, #tpu.memory_space<vmem>>, vector<256x768xf32>
    tpu.vector_store %arg17[%swap3A_67, %swap3A_68], %mul3A_66 {strides = array<i32>} : memref<256x768xf32, #tpu.memory_space<vmem>>, vector<256x768xf32>,
    %get3A_70 = arith.constant 0 : index
    %get3A_71 = arith.constant 0 : index
    %get3A_72 = vector.load %arg6[%get3A_70, %get3A_71] : memref<768x768xf32, #tpu.memory_space<vmem>>, vector<768x768xf32>
    %dot_general3A_73 = arith.constant dense<0.000000e+00> : vector<256x768xf32>
    %dot_general3A_74 = tpu.matmul %get3A_1, %get3A_72, %dot_general3A_73 {dimension_numbers = #tpu.dot_dimension_numbers<[1], [0], [0], [1], [0, 0, 1, 1], [], []>, transpose_lhs_hint = false} : vector<256x768xf32>, vector<768x768xf32>, vector<256x768xf32> -> vector<256x768xf32>
    %get3A_75 = arith.constant 0 : index
    %get3A_76 = arith.constant 0 : index
    %get3A_77 = vector.load %arg12[%get3A_75, %get3A_76] : memref<1x768xf32, #tpu.memory_space<vmem>>, vector<1x768xf32>
    %add3A_78 = vector.broadcast %get3A_77 : vector<1x768xf32> to vector<256x768xf32>
    %add3A_79 = arith.addf %dot_general3A_74, %add3A_78 : vector<256x768xf32>
    %logistic3A_80 = arith.negf %add3A_79 : vector<256x768xf32>
    %logistic3A_81 = math.exp %logistic3A_80 : vector<256x768xf32>
    %logistic3A_82 = arith.constant 1.000000e+00 : f32
    %logistic3A_83 = vector.broadcast %logistic3A_82 : f32 to vector<256x768xf32>
    %logistic3A_84 = arith.addf %logistic3A_83, %logistic3A_81 : vector<256x768xf32>
    %logistic3A_85 = arith.divf %logistic3A_83, %logistic3A_84 : vector<256x768xf32>
    %swap3A_86 = arith.constant 0 : index
    %swap3A_87 = arith.constant 0 : index
    %swap3A_88 = vector.load %arg18[%swap3A_86, %swap3A_87] : memref<256x768xf32, #tpu.memory_space<vmem>>, vector<256x768xf32>
    tpu.vector_store %arg18[%swap3A_86, %swap3A_87], %logistic3A_85 {strides = array<i32>} : memref<256x768xf32, #tpu.memory_space<vmem>>, vector<256x768xf32>,
    %get3A_89 = arith.constant 0 : index
    %get3A_90 = arith.constant 0 : index
    %get3A_91 = vector.load %arg7[%get3A_89, %get3A_90] : memref<768x256xf32, #tpu.memory_space<vmem>>, vector<768x256xf32>
    %dot_general3A_92 = arith.constant dense<0.000000e+00> : vector<256x256xf32>
    %dot_general3A_93 = tpu.matmul %get3A_1, %get3A_91, %dot_general3A_92 {dimension_numbers = #tpu.dot_dimension_numbers<[1], [0], [0], [1], [0, 0, 1, 1], [], []>, transpose_lhs_hint = false} : vector<256x768xf32>, vector<768x256xf32>, vector<256x256xf32> -> vector<256x256xf32>
    %swap3A_94 = arith.constant 0 : index
    %swap3A_95 = arith.constant 0 : index
    %swap3A_96 = vector.load %arg19[%swap3A_94, %swap3A_95] : memref<256x256xf32, #tpu.memory_space<vmem>>, vector<256x256xf32>
    tpu.vector_store %arg19[%swap3A_94, %swap3A_95], %dot_general3A_93 {strides = array<i32>} : memref<256x256xf32, #tpu.memory_space<vmem>>, vector<256x256xf32>,
    %get3A_97 = arith.constant 0 : index
    %get3A_98 = arith.constant 0 : index
    %get3A_99 = vector.load %arg8[%get3A_97, %get3A_98] : memref<768x64xf32, #tpu.memory_space<vmem>>, vector<768x64xf32>
    %dot_general3A_100 = arith.constant dense<0.000000e+00> : vector<256x64xf32>
    %dot_general3A_101 = tpu.matmul %get3A_1, %get3A_99, %dot_general3A_100 {dimension_numbers = #tpu.dot_dimension_numbers<[1], [0], [0], [1], [0, 0, 1, 1], [], []>, transpose_lhs_hint = false} : vector<256x768xf32>, vector<768x64xf32>, vector<256x64xf32> -> vector<256x64xf32>
    %swap3A_102 = arith.constant 0 : index
    %swap3A_103 = arith.constant 0 : index
    %swap3A_104 = vector.load %arg20[%swap3A_102, %swap3A_103] : memref<256x64xf32, #tpu.memory_space<vmem>>, vector<256x64xf32>
    tpu.vector_store %arg20[%swap3A_102, %swap3A_103], %dot_general3A_101 {strides = array<i32>} : memref<256x64xf32, #tpu.memory_space<vmem>>, vector<256x64xf32>,
    %get3A_105 = arith.constant 0 : index
    %get3A_106 = arith.constant 0 : index
    %get3A_107 = vector.load %arg9[%get3A_105, %get3A_106] : memref<768x128xf32, #tpu.memory_space<vmem>>, vector<768x128xf32>
    %dot_general3A_108 = arith.constant dense<0.000000e+00> : vector<256x128xf32>
    %dot_general3A_109 = tpu.matmul %get3A_1, %get3A_107, %dot_general3A_108 {dimension_numbers = #tpu.dot_dimension_numbers<[1], [0], [0], [1], [0, 0, 1, 1], [], []>, transpose_lhs_hint = false} : vector<256x768xf32>, vector<768x128xf32>, vector<256x128xf32> -> vector<256x128xf32>
    %get3A_110 = arith.constant 0 : index
    %get3A_111 = arith.constant 0 : index
    %get3A_112 = vector.load %arg10[%get3A_110, %get3A_111] : memref<1x128xf32, #tpu.memory_space<vmem>>, vector<1x128xf32>
    %add3A_113 = vector.broadcast %get3A_112 : vector<1x128xf32> to vector<256x128xf32>
    %add3A_114 = arith.addf %dot_general3A_109, %add3A_113 : vector<256x128xf32>
    %logistic3A_115 = arith.negf %add3A_114 : vector<256x128xf32>
    %logistic3A_116 = math.exp %logistic3A_115 : vector<256x128xf32>
    %logistic3A_117 = arith.constant 1.000000e+00 : f32
    %logistic3A_118 = vector.broadcast %logistic3A_117 : f32 to vector<256x128xf32>
    %logistic3A_119 = arith.addf %logistic3A_118, %logistic3A_116 : vector<256x128xf32>
    %logistic3A_120 = arith.divf %logistic3A_118, %logistic3A_119 : vector<256x128xf32>
    %swap3A_121 = arith.constant 0 : index
    %swap3A_122 = arith.constant 0 : index
    %swap3A_123 = vector.load %arg21[%swap3A_121, %swap3A_122] : memref<256x128xf32, #tpu.memory_space<vmem>>, vector<256x128xf32>
    tpu.vector_store %arg21[%swap3A_121, %swap3A_122], %logistic3A_120 {strides = array<i32>} : memref<256x128xf32, #tpu.memory_space<vmem>>, vector<256x128xf32>,
    return
  }
  func.func @transform_0(%arg0: i32) -> (i32, i32) {
    %c0_i32 = arith.constant 0 : i32
    %c0_i32_0 = arith.constant 0 : i32
    return %arg0, %c0_i32 : i32, i32
  }
  func.func @transform_1(%arg0: i32) -> (i32, i32) {
    %c0_i32 = arith.constant 0 : i32
    %c0_i32_0 = arith.constant 0 : i32
    %c0_i32_1 = arith.constant 0 : i32
    return %c0_i32, %c0_i32_0 : i32, i32
  }
  func.func @transform_2(%arg0: i32) -> (i32, i32) {
    %c0_i32 = arith.constant 0 : i32
    %c0_i32_0 = arith.constant 0 : i32
    %c0_i32_1 = arith.constant 0 : i32
    return %c0_i32, %c0_i32_0 : i32, i32
  }
  func.func @transform_3(%arg0: i32) -> (i32, i32) {
    %c0_i32 = arith.constant 0 : i32
    %c0_i32_0 = arith.constant 0 : i32
    %c0_i32_1 = arith.constant 0 : i32
    return %c0_i32, %c0_i32_0 : i32, i32
  }
  func.func @transform_4(%arg0: i32) -> (i32, i32) {
    %c0_i32 = arith.constant 0 : i32
    %c0_i32_0 = arith.constant 0 : i32
    %c0_i32_1 = arith.constant 0 : i32
    return %c0_i32, %c0_i32_0 : i32, i32
  }
  func.func @transform_5(%arg0: i32) -> (i32, i32) {
    %c0_i32 = arith.constant 0 : i32
    %c0_i32_0 = arith.constant 0 : i32
    %c0_i32_1 = arith.constant 0 : i32
    return %c0_i32, %c0_i32_0 : i32, i32
  }
  func.func @transform_6(%arg0: i32) -> (i32, i32) {
    %c0_i32 = arith.constant 0 : i32
    %c0_i32_0 = arith.constant 0 : i32
    %c0_i32_1 = arith.constant 0 : i32
    return %c0_i32, %c0_i32_0 : i32, i32
  }
  func.func @transform_7(%arg0: i32) -> (i32, i32) {
    %c0_i32 = arith.constant 0 : i32
    %c0_i32_0 = arith.constant 0 : i32
    %c0_i32_1 = arith.constant 0 : i32
    return %c0_i32, %c0_i32_0 : i32, i32
  }
  func.func @transform_8(%arg0: i32) -> (i32, i32) {
    %c0_i32 = arith.constant 0 : i32
    %c0_i32_0 = arith.constant 0 : i32
    %c0_i32_1 = arith.constant 0 : i32
    return %c0_i32, %c0_i32_0 : i32, i32
  }
  func.func @transform_9(%arg0: i32) -> (i32, i32) {
    %c0_i32 = arith.constant 0 : i32
    %c0_i32_0 = arith.constant 0 : i32
    %c0_i32_1 = arith.constant 0 : i32
    return %c0_i32, %c0_i32_0 : i32, i32
  }
  func.func @transform_10(%arg0: i32) -> (i32, i32) {
    %c0_i32 = arith.constant 0 : i32
    %c0_i32_0 = arith.constant 0 : i32
    %c0_i32_1 = arith.constant 0 : i32
    return %c0_i32, %c0_i32_0 : i32, i32
  }
  func.func @transform_11(%arg0: i32) -> (i32, i32) {
    %c0_i32 = arith.constant 0 : i32
    %c0_i32_0 = arith.constant 0 : i32
    %c0_i32_1 = arith.constant 0 : i32
    return %c0_i32, %c0_i32_0 : i32, i32
  }
  func.func @transform_12(%arg0: i32) -> (i32, i32) {
    %c0_i32 = arith.constant 0 : i32
    %c0_i32_0 = arith.constant 0 : i32
    return %arg0, %c0_i32 : i32, i32
  }
  func.func @transform_13(%arg0: i32) -> (i32, i32) {
    %c0_i32 = arith.constant 0 : i32
    %c0_i32_0 = arith.constant 0 : i32
    return %arg0, %c0_i32 : i32, i32
  }
  func.func @transform_14(%arg0: i32) -> (i32, i32) {
    %c0_i32 = arith.constant 0 : i32
    %c0_i32_0 = arith.constant 0 : i32
    return %arg0, %c0_i32 : i32, i32
  }
  func.func @transform_15(%arg0: i32) -> (i32, i32) {
    %c0_i32 = arith.constant 0 : i32
    %c0_i32_0 = arith.constant 0 : i32
    return %arg0, %c0_i32 : i32, i32
  }
  func.func @transform_16(%arg0: i32) -> (i32, i32) {
    %c0_i32 = arith.constant 0 : i32
    %c0_i32_0 = arith.constant 0 : i32
    return %arg0, %c0_i32 : i32, i32
  }
  func.func @transform_17(%arg0: i32) -> (i32, i32) {
    %c0_i32 = arith.constant 0 : i32
    %c0_i32_0 = arith.constant 0 : i32
    return %arg0, %c0_i32 : i32, i32
  }
  func.func @transform_18(%arg0: i32) -> (i32, i32) {
    %c0_i32 = arith.constant 0 : i32
    %c0_i32_0 = arith.constant 0 : i32
    return %arg0, %c0_i32 : i32, i32
  }
  func.func @transform_19(%arg0: i32) -> (i32, i32) {
    %c0_i32 = arith.constant 0 : i32
    %c0_i32_0 = arith.constant 0 : i32
    return %arg0, %c0_i32 : i32, i32
  }
  func.func @transform_20(%arg0: i32) -> (i32, i32) {
    %c0_i32 = arith.constant 0 : i32
    %c0_i32_0 = arith.constant 0 : i32
    return %arg0, %c0_i32 : i32, i32
  }
}

module attributes {stable_mosaic.version = 14 : i64} {
  func.func @_scores_body(%arg0: i32, %arg1: i32, %arg2: memref<256x256xf32, #tpu.memory_space<vmem>>, %arg3: memref<256x64xf32, #tpu.memory_space<vmem>>, %arg4: memref<256x128xf32, #tpu.memory_space<vmem>>, %arg5: memref<1x128xf32, #tpu.memory_space<vmem>>, %arg6: memref<256x256xf32, #tpu.memory_space<vmem>>) attributes {dimension_semantics = [#tpu.dimension_semantics<arbitrary>, #tpu.dimension_semantics<arbitrary>], iteration_bounds = array<i64: 8, 8>, scalar_prefetch = 0 : i64, scratch_operands = 0 : i64, tpu.core_type = #tpu.core_type<tc>, window_params = [{transform_indices = @transform_0, window_bounds = array<i64: 256, 256>}, {transform_indices = @transform_1, window_bounds = array<i64: 256, 64>}, {transform_indices = @transform_2, window_bounds = array<i64: 256, 128>}, {pipeline_mode = #tpu.pipeline_mode<synchronous>, transform_indices = @transform_3, window_bounds = array<i64: 1, 128>}, {transform_indices = @transform_4, window_bounds = array<i64: 256, 256>}]} {
    %le3A = arith.cmpi sle, %arg1, %arg0 : i32
    %convert_element_type3A = arith.extui %le3A : i1 to i32
    %cond3A = arith.constant 0 : i32
    %cond3A_0 = arith.cmpi ne, %convert_element_type3A, %cond3A : i32
    scf.if %cond3A_0 {
      %get3A = arith.constant 0 : index
      %get3A_4 = arith.constant 0 : index
      %get3A_5 = vector.load %arg3[%get3A, %get3A_4] : memref<256x64xf32, #tpu.memory_space<vmem>>, vector<256x64xf32>
      %get3A_6 = arith.constant 0 : index
      %get3A_7 = arith.constant 0 : index
      %get3A_8 = vector.load %arg4[%get3A_6, %get3A_7] : memref<256x128xf32, #tpu.memory_space<vmem>>, vector<256x128xf32>
      %broadcast_in_dim3A = arith.constant 0.000000e+00 : f32
      %broadcast_in_dim3A_9 = vector.broadcast %broadcast_in_dim3A : f32 to vector<256x256xf32>
      %get3A_10 = arith.constant 0 : index
      %get3A_11 = arith.constant 0 : index
      %get3A_12 = vector.load %arg2[%get3A_10, %get3A_11] : memref<256x256xf32, #tpu.memory_space<vmem>>, vector<256x64xf32>
      %dot_general3A = arith.constant dense<0.000000e+00> : vector<256x256xf32>
      %dot_general3A_13 = tpu.matmul %get3A_12, %get3A_5, %dot_general3A {dimension_numbers = #tpu.dot_dimension_numbers<[1], [1], [0], [0], [0, 0, 1, 0], [], []>, transpose_lhs_hint = false} : vector<256x64xf32>, vector<256x64xf32>, vector<256x256xf32> -> vector<256x256xf32>
      %mul3A = arith.constant 1.250000e-01 : f32
      %mul3A_14 = vector.broadcast %mul3A : f32 to vector<256x256xf32>
      %mul3A_15 = arith.mulf %dot_general3A_13, %mul3A_14 : vector<256x256xf32>
      %get3A_16 = arith.constant 0 : index
      %get3A_17 = arith.constant 0 : index
      %get3A_18 = vector.load %arg5[%get3A_16, %get3A_17] : memref<1x128xf32, #tpu.memory_space<vmem>>, vector<1x1xf32>
      %get3A_19 = vector.extract %get3A_18[0, 0] : f32 from vector<1x1xf32>
      %add3A = vector.broadcast %get3A_19 : f32 to vector<256x256xf32>
      %add3A_20 = arith.addf %mul3A_15, %add3A : vector<256x256xf32>
      %logistic3A = arith.negf %add3A_20 : vector<256x256xf32>
      %logistic3A_21 = math.exp %logistic3A : vector<256x256xf32>
      %logistic3A_22 = arith.constant 1.000000e+00 : f32
      %logistic3A_23 = vector.broadcast %logistic3A_22 : f32 to vector<256x256xf32>
      %logistic3A_24 = arith.addf %logistic3A_23, %logistic3A_21 : vector<256x256xf32>
      %logistic3A_25 = arith.divf %logistic3A_23, %logistic3A_24 : vector<256x256xf32>
      %slice3A = vector.extract_strided_slice %get3A_8 {offsets = [0, 0], sizes = [256, 1], strides = [1, 1]} : vector<256x128xf32> to vector<256x1xf32>
      %mul3A_26 = vector.broadcast %slice3A : vector<256x1xf32> to vector<256x256xf32>
      %mul3A_27 = arith.mulf %logistic3A_25, %mul3A_26 : vector<256x256xf32>
      %add3A_28 = arith.addf %broadcast_in_dim3A_9, %mul3A_27 : vector<256x256xf32>
      %get3A_29 = arith.constant 0 : index
      %get3A_30 = arith.constant 64 : index
      %get3A_31 = vector.load %arg2[%get3A_29, %get3A_30] : memref<256x256xf32, #tpu.memory_space<vmem>>, vector<256x64xf32>
      %dot_general3A_32 = arith.constant dense<0.000000e+00> : vector<256x256xf32>
      %dot_general3A_33 = tpu.matmul %get3A_31, %get3A_5, %dot_general3A_32 {dimension_numbers = #tpu.dot_dimension_numbers<[1], [1], [0], [0], [0, 0, 1, 0], [], []>, transpose_lhs_hint = false} : vector<256x64xf32>, vector<256x64xf32>, vector<256x256xf32> -> vector<256x256xf32>
      %mul3A_34 = arith.constant 1.250000e-01 : f32
      %mul3A_35 = vector.broadcast %mul3A_34 : f32 to vector<256x256xf32>
      %mul3A_36 = arith.mulf %dot_general3A_33, %mul3A_35 : vector<256x256xf32>
      %get3A_37 = arith.constant 0 : index
      %get3A_38 = arith.constant 1 : index
      %get3A_39 = vector.load %arg5[%get3A_37, %get3A_38] : memref<1x128xf32, #tpu.memory_space<vmem>>, vector<1x1xf32>
      %get3A_40 = vector.extract %get3A_39[0, 0] : f32 from vector<1x1xf32>
      %add3A_41 = vector.broadcast %get3A_40 : f32 to vector<256x256xf32>
      %add3A_42 = arith.addf %mul3A_36, %add3A_41 : vector<256x256xf32>
      %logistic3A_43 = arith.negf %add3A_42 : vector<256x256xf32>
      %logistic3A_44 = math.exp %logistic3A_43 : vector<256x256xf32>
      %logistic3A_45 = arith.constant 1.000000e+00 : f32
      %logistic3A_46 = vector.broadcast %logistic3A_45 : f32 to vector<256x256xf32>
      %logistic3A_47 = arith.addf %logistic3A_46, %logistic3A_44 : vector<256x256xf32>
      %logistic3A_48 = arith.divf %logistic3A_46, %logistic3A_47 : vector<256x256xf32>
      %slice3A_49 = vector.extract_strided_slice %get3A_8 {offsets = [0, 1], sizes = [256, 1], strides = [1, 1]} : vector<256x128xf32> to vector<256x1xf32>
      %mul3A_50 = vector.broadcast %slice3A_49 : vector<256x1xf32> to vector<256x256xf32>
      %mul3A_51 = arith.mulf %logistic3A_48, %mul3A_50 : vector<256x256xf32>
      %add3A_52 = arith.addf %add3A_28, %mul3A_51 : vector<256x256xf32>
      %get3A_53 = arith.constant 0 : index
      %get3A_54 = arith.constant 128 : index
      %get3A_55 = vector.load %arg2[%get3A_53, %get3A_54] : memref<256x256xf32, #tpu.memory_space<vmem>>, vector<256x64xf32>
      %dot_general3A_56 = arith.constant dense<0.000000e+00> : vector<256x256xf32>
      %dot_general3A_57 = tpu.matmul %get3A_55, %get3A_5, %dot_general3A_56 {dimension_numbers = #tpu.dot_dimension_numbers<[1], [1], [0], [0], [0, 0, 1, 0], [], []>, transpose_lhs_hint = false} : vector<256x64xf32>, vector<256x64xf32>, vector<256x256xf32> -> vector<256x256xf32>
      %mul3A_58 = arith.constant 1.250000e-01 : f32
      %mul3A_59 = vector.broadcast %mul3A_58 : f32 to vector<256x256xf32>
      %mul3A_60 = arith.mulf %dot_general3A_57, %mul3A_59 : vector<256x256xf32>
      %get3A_61 = arith.constant 0 : index
      %get3A_62 = arith.constant 2 : index
      %get3A_63 = vector.load %arg5[%get3A_61, %get3A_62] : memref<1x128xf32, #tpu.memory_space<vmem>>, vector<1x1xf32>
      %get3A_64 = vector.extract %get3A_63[0, 0] : f32 from vector<1x1xf32>
      %add3A_65 = vector.broadcast %get3A_64 : f32 to vector<256x256xf32>
      %add3A_66 = arith.addf %mul3A_60, %add3A_65 : vector<256x256xf32>
      %logistic3A_67 = arith.negf %add3A_66 : vector<256x256xf32>
      %logistic3A_68 = math.exp %logistic3A_67 : vector<256x256xf32>
      %logistic3A_69 = arith.constant 1.000000e+00 : f32
      %logistic3A_70 = vector.broadcast %logistic3A_69 : f32 to vector<256x256xf32>
      %logistic3A_71 = arith.addf %logistic3A_70, %logistic3A_68 : vector<256x256xf32>
      %logistic3A_72 = arith.divf %logistic3A_70, %logistic3A_71 : vector<256x256xf32>
      %slice3A_73 = vector.extract_strided_slice %get3A_8 {offsets = [0, 2], sizes = [256, 1], strides = [1, 1]} : vector<256x128xf32> to vector<256x1xf32>
      %mul3A_74 = vector.broadcast %slice3A_73 : vector<256x1xf32> to vector<256x256xf32>
      %mul3A_75 = arith.mulf %logistic3A_72, %mul3A_74 : vector<256x256xf32>
      %add3A_76 = arith.addf %add3A_52, %mul3A_75 : vector<256x256xf32>
      %get3A_77 = arith.constant 0 : index
      %get3A_78 = arith.constant 192 : index
      %get3A_79 = vector.load %arg2[%get3A_77, %get3A_78] : memref<256x256xf32, #tpu.memory_space<vmem>>, vector<256x64xf32>
      %dot_general3A_80 = arith.constant dense<0.000000e+00> : vector<256x256xf32>
      %dot_general3A_81 = tpu.matmul %get3A_79, %get3A_5, %dot_general3A_80 {dimension_numbers = #tpu.dot_dimension_numbers<[1], [1], [0], [0], [0, 0, 1, 0], [], []>, transpose_lhs_hint = false} : vector<256x64xf32>, vector<256x64xf32>, vector<256x256xf32> -> vector<256x256xf32>
      %mul3A_82 = arith.constant 1.250000e-01 : f32
      %mul3A_83 = vector.broadcast %mul3A_82 : f32 to vector<256x256xf32>
      %mul3A_84 = arith.mulf %dot_general3A_81, %mul3A_83 : vector<256x256xf32>
      %get3A_85 = arith.constant 0 : index
      %get3A_86 = arith.constant 3 : index
      %get3A_87 = vector.load %arg5[%get3A_85, %get3A_86] : memref<1x128xf32, #tpu.memory_space<vmem>>, vector<1x1xf32>
      %get3A_88 = vector.extract %get3A_87[0, 0] : f32 from vector<1x1xf32>
      %add3A_89 = vector.broadcast %get3A_88 : f32 to vector<256x256xf32>
      %add3A_90 = arith.addf %mul3A_84, %add3A_89 : vector<256x256xf32>
      %logistic3A_91 = arith.negf %add3A_90 : vector<256x256xf32>
      %logistic3A_92 = math.exp %logistic3A_91 : vector<256x256xf32>
      %logistic3A_93 = arith.constant 1.000000e+00 : f32
      %logistic3A_94 = vector.broadcast %logistic3A_93 : f32 to vector<256x256xf32>
      %logistic3A_95 = arith.addf %logistic3A_94, %logistic3A_92 : vector<256x256xf32>
      %logistic3A_96 = arith.divf %logistic3A_94, %logistic3A_95 : vector<256x256xf32>
      %slice3A_97 = vector.extract_strided_slice %get3A_8 {offsets = [0, 3], sizes = [256, 1], strides = [1, 1]} : vector<256x128xf32> to vector<256x1xf32>
      %mul3A_98 = vector.broadcast %slice3A_97 : vector<256x1xf32> to vector<256x256xf32>
      %mul3A_99 = arith.mulf %logistic3A_96, %mul3A_98 : vector<256x256xf32>
      %add3A_100 = arith.addf %add3A_76, %mul3A_99 : vector<256x256xf32>
      %mul3A_101 = arith.constant 256 : i32
      %mul3A_102 = arith.muli %arg0, %mul3A_101 : i32
      %iota3A = tpu.iota {dimensions = array<i32: 0>} : vector<256x256xi32>
      %add3A_103 = vector.broadcast %mul3A_102 : i32 to vector<256x256xi32>
      %add3A_104 = arith.addi %add3A_103, %iota3A : vector<256x256xi32>
      %mul3A_105 = arith.constant 256 : i32
      %mul3A_106 = arith.muli %arg1, %mul3A_105 : i32
      %iota3A_107 = tpu.iota {dimensions = array<i32: 1>} : vector<256x256xi32>
      %add3A_108 = vector.broadcast %mul3A_106 : i32 to vector<256x256xi32>
      %add3A_109 = arith.addi %add3A_108, %iota3A_107 : vector<256x256xi32>
      %gt3A_110 = arith.cmpi sgt, %add3A_109, %add3A_104 : vector<256x256xi32>
      %jit3A = arith.constant 0xFF800000 : f32
      %broadcast_in_dim3A_111 = vector.broadcast %jit3A : f32 to vector<256x256xf32>
      %select_n3A = arith.select %gt3A_110, %broadcast_in_dim3A_111, %add3A_100 : vector<256x256xi1>, vector<256x256xf32>
      %swap3A = arith.constant 0 : index
      %swap3A_112 = arith.constant 0 : index
      %swap3A_113 = vector.load %arg6[%swap3A, %swap3A_112] : memref<256x256xf32, #tpu.memory_space<vmem>>, vector<256x256xf32>
      tpu.vector_store %arg6[%swap3A, %swap3A_112], %select_n3A {strides = array<i32>} : memref<256x256xf32, #tpu.memory_space<vmem>>, vector<256x256xf32>,
    } else {
    }
    %gt3A = arith.cmpi sgt, %arg1, %arg0 : i32
    %convert_element_type3A_1 = arith.extui %gt3A : i1 to i32
    %cond3A_2 = arith.constant 0 : i32
    %cond3A_3 = arith.cmpi ne, %convert_element_type3A_1, %cond3A_2 : i32
    scf.if %cond3A_3 {
      %broadcast_in_dim3A = arith.constant 0xFF800000 : f32
      %broadcast_in_dim3A_4 = vector.broadcast %broadcast_in_dim3A : f32 to vector<256x256xf32>
      %swap3A = arith.constant 0 : index
      %swap3A_5 = arith.constant 0 : index
      %swap3A_6 = vector.load %arg6[%swap3A, %swap3A_5] : memref<256x256xf32, #tpu.memory_space<vmem>>, vector<256x256xf32>
      tpu.vector_store %arg6[%swap3A, %swap3A_5], %broadcast_in_dim3A_4 {strides = array<i32>} : memref<256x256xf32, #tpu.memory_space<vmem>>, vector<256x256xf32>,
    } else {
    }
    return
  }
  func.func @transform_0(%arg0: i32, %arg1: i32) -> (i32, i32) {
    %c0_i32 = arith.constant 0 : i32
    %c0_i32_0 = arith.constant 0 : i32
    return %arg0, %c0_i32 : i32, i32
  }
  func.func @transform_1(%arg0: i32, %arg1: i32) -> (i32, i32) {
    %c0_i32 = arith.constant 0 : i32
    %c0_i32_0 = arith.constant 0 : i32
    return %arg1, %c0_i32 : i32, i32
  }
  func.func @transform_2(%arg0: i32, %arg1: i32) -> (i32, i32) {
    %c0_i32 = arith.constant 0 : i32
    %c0_i32_0 = arith.constant 0 : i32
    return %arg0, %c0_i32 : i32, i32
  }
  func.func @transform_3(%arg0: i32, %arg1: i32) -> (i32, i32) {
    %c0_i32 = arith.constant 0 : i32
    %c0_i32_0 = arith.constant 0 : i32
    %c0_i32_1 = arith.constant 0 : i32
    return %c0_i32, %c0_i32_0 : i32, i32
  }
  func.func @transform_4(%arg0: i32, %arg1: i32) -> (i32, i32) {
    %c0_i32 = arith.constant 0 : i32
    return %arg0, %arg1 : i32, i32
  }
}

module attributes {stable_mosaic.version = 14 : i64} {
  func.func @_attn_body(%arg0: i32, %arg1: memref<256x768xf32, #tpu.memory_space<vmem>>, %arg2: memref<2048x768xf32, #tpu.memory_space<vmem>>, %arg3: memref<2048x768xf32, #tpu.memory_space<vmem>>, %arg4: memref<256x2048xf32, #tpu.memory_space<vmem>>, %arg5: memref<256x768xf32, #tpu.memory_space<vmem>>, %arg6: memref<768x768xf32, #tpu.memory_space<vmem>>, %arg7: memref<256x768xf32, #tpu.memory_space<vmem>>) attributes {dimension_semantics = [#tpu.dimension_semantics<arbitrary>], iteration_bounds = array<i64: 8>, scalar_prefetch = 0 : i64, scratch_operands = 0 : i64, tpu.core_type = #tpu.core_type<tc>, window_params = [{transform_indices = @transform_0, window_bounds = array<i64: 256, 768>}, {pipeline_mode = #tpu.pipeline_mode<synchronous>, transform_indices = @transform_1, window_bounds = array<i64: 2048, 768>}, {pipeline_mode = #tpu.pipeline_mode<synchronous>, transform_indices = @transform_2, window_bounds = array<i64: 2048, 768>}, {transform_indices = @transform_3, window_bounds = array<i64: 256, 2048>}, {transform_indices = @transform_4, window_bounds = array<i64: 256, 768>}, {pipeline_mode = #tpu.pipeline_mode<synchronous>, transform_indices = @transform_5, window_bounds = array<i64: 768, 768>}, {transform_indices = @transform_6, window_bounds = array<i64: 256, 768>}]} {
    %get3A = arith.constant 0 : index
    %get3A_0 = arith.constant 0 : index
    %get3A_1 = vector.load %arg1[%get3A, %get3A_0] : memref<256x768xf32, #tpu.memory_space<vmem>>, vector<256x768xf32>
    %get3A_2 = arith.constant 0 : index
    %get3A_3 = arith.constant 0 : index
    %get3A_4 = vector.load %arg4[%get3A_2, %get3A_3] : memref<256x2048xf32, #tpu.memory_space<vmem>>, vector<256x2048xf32>
    %gt3A = arith.constant 0.000000e+00 : f32
    %gt3A_5 = vector.broadcast %gt3A : f32 to vector<256x2048xf32>
    %gt3A_6 = arith.cmpf ogt, %get3A_4, %gt3A_5 : vector<256x2048xf32>
    %slice3A = vector.extract_strided_slice %get3A_1 {offsets = [0, 0], sizes = [256, 64], strides = [1, 1]} : vector<256x768xf32> to vector<256x64xf32>
    %get3A_7 = arith.constant 0 : index
    %get3A_8 = arith.constant 0 : index
    %get3A_9 = vector.load %arg2[%get3A_7, %get3A_8] : memref<2048x768xf32, #tpu.memory_space<vmem>>, vector<2048x64xf32>
    %dot_general3A = arith.constant dense<0.000000e+00> : vector<256x2048xf32>
    %dot_general3A_10 = tpu.matmul %slice3A, %get3A_9, %dot_general3A {dimension_numbers = #tpu.dot_dimension_numbers<[1], [1], [0], [0], [0, 0, 1, 0], [], []>, transpose_lhs_hint = false} : vector<256x64xf32>, vector<2048x64xf32>, vector<256x2048xf32> -> vector<256x2048xf32>
    %mul3A = arith.constant 1.250000e-01 : f32
    %mul3A_11 = vector.broadcast %mul3A : f32 to vector<256x2048xf32>
    %mul3A_12 = arith.mulf %dot_general3A_10, %mul3A_11 : vector<256x2048xf32>
    %jit3A = arith.constant -1.000000e+30 : f32
    %broadcast_in_dim3A = vector.broadcast %jit3A : f32 to vector<256x2048xf32>
    %select_n3A = arith.select %gt3A_6, %mul3A_12, %broadcast_in_dim3A : vector<256x2048xi1>, vector<256x2048xf32>
    %reduce_max3A = arith.constant dense<0xFF800000> : vector<256xf32>
    %reduce_max3A_13 = vector.multi_reduction <maximumf>, %select_n3A, %reduce_max3A [1] : vector<256x2048xf32> to vector<256xf32>
    %broadcast_in_dim3A_14 = vector.shape_cast %reduce_max3A_13 : vector<256xf32> to vector<256x1xf32>
    %sub3A = vector.broadcast %broadcast_in_dim3A_14 : vector<256x1xf32> to vector<256x2048xf32>
    %sub3A_15 = arith.subf %select_n3A, %sub3A : vector<256x2048xf32>
    %exp3A = math.exp %sub3A_15 : vector<256x2048xf32>
    %jit3A_16 = arith.constant 0.000000e+00 : f32
    %broadcast_in_dim3A_17 = vector.broadcast %jit3A_16 : f32 to vector<256x2048xf32>
    %select_n3A_18 = arith.select %gt3A_6, %exp3A, %broadcast_in_dim3A_17 : vector<256x2048xi1>, vector<256x2048xf32>
    %reduce_sum3A = arith.constant dense<0.000000e+00> : vector<256xf32>
    %reduce_sum3A_19 = vector.multi_reduction <add>, %select_n3A_18, %reduce_sum3A [1] : vector<256x2048xf32> to vector<256xf32>
    %broadcast_in_dim3A_20 = vector.shape_cast %reduce_sum3A_19 : vector<256xf32> to vector<256x1xf32>
    %div3A = vector.broadcast %broadcast_in_dim3A_20 : vector<256x1xf32> to vector<256x2048xf32>
    %div3A_21 = arith.divf %select_n3A_18, %div3A : vector<256x2048xf32>
    %get3A_22 = arith.constant 0 : index
    %get3A_23 = arith.constant 0 : index
    %get3A_24 = vector.load %arg3[%get3A_22, %get3A_23] : memref<2048x768xf32, #tpu.memory_space<vmem>>, vector<2048x64xf32>
    %dot_general3A_25 = arith.constant dense<0.000000e+00> : vector<256x64xf32>
    %dot_general3A_26 = tpu.matmul %div3A_21, %get3A_24, %dot_general3A_25 {dimension_numbers = #tpu.dot_dimension_numbers<[1], [0], [0], [1], [0, 0, 1, 1], [], []>, transpose_lhs_hint = false} : vector<256x2048xf32>, vector<2048x64xf32>, vector<256x64xf32> -> vector<256x64xf32>
    %slice3A_27 = vector.extract_strided_slice %get3A_1 {offsets = [0, 64], sizes = [256, 64], strides = [1, 1]} : vector<256x768xf32> to vector<256x64xf32>
    %get3A_28 = arith.constant 0 : index
    %get3A_29 = arith.constant 64 : index
    %get3A_30 = vector.load %arg2[%get3A_28, %get3A_29] : memref<2048x768xf32, #tpu.memory_space<vmem>>, vector<2048x64xf32>
    %dot_general3A_31 = arith.constant dense<0.000000e+00> : vector<256x2048xf32>
    %dot_general3A_32 = tpu.matmul %slice3A_27, %get3A_30, %dot_general3A_31 {dimension_numbers = #tpu.dot_dimension_numbers<[1], [1], [0], [0], [0, 0, 1, 0], [], []>, transpose_lhs_hint = false} : vector<256x64xf32>, vector<2048x64xf32>, vector<256x2048xf32> -> vector<256x2048xf32>
    %mul3A_33 = arith.constant 1.250000e-01 : f32
    %mul3A_34 = vector.broadcast %mul3A_33 : f32 to vector<256x2048xf32>
    %mul3A_35 = arith.mulf %dot_general3A_32, %mul3A_34 : vector<256x2048xf32>
    %jit3A_36 = arith.constant -1.000000e+30 : f32
    %broadcast_in_dim3A_37 = vector.broadcast %jit3A_36 : f32 to vector<256x2048xf32>
    %select_n3A_38 = arith.select %gt3A_6, %mul3A_35, %broadcast_in_dim3A_37 : vector<256x2048xi1>, vector<256x2048xf32>
    %reduce_max3A_39 = arith.constant dense<0xFF800000> : vector<256xf32>
    %reduce_max3A_40 = vector.multi_reduction <maximumf>, %select_n3A_38, %reduce_max3A_39 [1] : vector<256x2048xf32> to vector<256xf32>
    %broadcast_in_dim3A_41 = vector.shape_cast %reduce_max3A_40 : vector<256xf32> to vector<256x1xf32>
    %sub3A_42 = vector.broadcast %broadcast_in_dim3A_41 : vector<256x1xf32> to vector<256x2048xf32>
    %sub3A_43 = arith.subf %select_n3A_38, %sub3A_42 : vector<256x2048xf32>
    %exp3A_44 = math.exp %sub3A_43 : vector<256x2048xf32>
    %jit3A_45 = arith.constant 0.000000e+00 : f32
    %broadcast_in_dim3A_46 = vector.broadcast %jit3A_45 : f32 to vector<256x2048xf32>
    %select_n3A_47 = arith.select %gt3A_6, %exp3A_44, %broadcast_in_dim3A_46 : vector<256x2048xi1>, vector<256x2048xf32>
    %reduce_sum3A_48 = arith.constant dense<0.000000e+00> : vector<256xf32>
    %reduce_sum3A_49 = vector.multi_reduction <add>, %select_n3A_47, %reduce_sum3A_48 [1] : vector<256x2048xf32> to vector<256xf32>
    %broadcast_in_dim3A_50 = vector.shape_cast %reduce_sum3A_49 : vector<256xf32> to vector<256x1xf32>
    %div3A_51 = vector.broadcast %broadcast_in_dim3A_50 : vector<256x1xf32> to vector<256x2048xf32>
    %div3A_52 = arith.divf %select_n3A_47, %div3A_51 : vector<256x2048xf32>
    %get3A_53 = arith.constant 0 : index
    %get3A_54 = arith.constant 64 : index
    %get3A_55 = vector.load %arg3[%get3A_53, %get3A_54] : memref<2048x768xf32, #tpu.memory_space<vmem>>, vector<2048x64xf32>
    %dot_general3A_56 = arith.constant dense<0.000000e+00> : vector<256x64xf32>
    %dot_general3A_57 = tpu.matmul %div3A_52, %get3A_55, %dot_general3A_56 {dimension_numbers = #tpu.dot_dimension_numbers<[1], [0], [0], [1], [0, 0, 1, 1], [], []>, transpose_lhs_hint = false} : vector<256x2048xf32>, vector<2048x64xf32>, vector<256x64xf32> -> vector<256x64xf32>
    %slice3A_58 = vector.extract_strided_slice %get3A_1 {offsets = [0, 128], sizes = [256, 64], strides = [1, 1]} : vector<256x768xf32> to vector<256x64xf32>
    %get3A_59 = arith.constant 0 : index
    %get3A_60 = arith.constant 128 : index
    %get3A_61 = vector.load %arg2[%get3A_59, %get3A_60] : memref<2048x768xf32, #tpu.memory_space<vmem>>, vector<2048x64xf32>
    %dot_general3A_62 = arith.constant dense<0.000000e+00> : vector<256x2048xf32>
    %dot_general3A_63 = tpu.matmul %slice3A_58, %get3A_61, %dot_general3A_62 {dimension_numbers = #tpu.dot_dimension_numbers<[1], [1], [0], [0], [0, 0, 1, 0], [], []>, transpose_lhs_hint = false} : vector<256x64xf32>, vector<2048x64xf32>, vector<256x2048xf32> -> vector<256x2048xf32>
    %mul3A_64 = arith.constant 1.250000e-01 : f32
    %mul3A_65 = vector.broadcast %mul3A_64 : f32 to vector<256x2048xf32>
    %mul3A_66 = arith.mulf %dot_general3A_63, %mul3A_65 : vector<256x2048xf32>
    %jit3A_67 = arith.constant -1.000000e+30 : f32
    %broadcast_in_dim3A_68 = vector.broadcast %jit3A_67 : f32 to vector<256x2048xf32>
    %select_n3A_69 = arith.select %gt3A_6, %mul3A_66, %broadcast_in_dim3A_68 : vector<256x2048xi1>, vector<256x2048xf32>
    %reduce_max3A_70 = arith.constant dense<0xFF800000> : vector<256xf32>
    %reduce_max3A_71 = vector.multi_reduction <maximumf>, %select_n3A_69, %reduce_max3A_70 [1] : vector<256x2048xf32> to vector<256xf32>
    %broadcast_in_dim3A_72 = vector.shape_cast %reduce_max3A_71 : vector<256xf32> to vector<256x1xf32>
    %sub3A_73 = vector.broadcast %broadcast_in_dim3A_72 : vector<256x1xf32> to vector<256x2048xf32>
    %sub3A_74 = arith.subf %select_n3A_69, %sub3A_73 : vector<256x2048xf32>
    %exp3A_75 = math.exp %sub3A_74 : vector<256x2048xf32>
    %jit3A_76 = arith.constant 0.000000e+00 : f32
    %broadcast_in_dim3A_77 = vector.broadcast %jit3A_76 : f32 to vector<256x2048xf32>
    %select_n3A_78 = arith.select %gt3A_6, %exp3A_75, %broadcast_in_dim3A_77 : vector<256x2048xi1>, vector<256x2048xf32>
    %reduce_sum3A_79 = arith.constant dense<0.000000e+00> : vector<256xf32>
    %reduce_sum3A_80 = vector.multi_reduction <add>, %select_n3A_78, %reduce_sum3A_79 [1] : vector<256x2048xf32> to vector<256xf32>
    %broadcast_in_dim3A_81 = vector.shape_cast %reduce_sum3A_80 : vector<256xf32> to vector<256x1xf32>
    %div3A_82 = vector.broadcast %broadcast_in_dim3A_81 : vector<256x1xf32> to vector<256x2048xf32>
    %div3A_83 = arith.divf %select_n3A_78, %div3A_82 : vector<256x2048xf32>
    %get3A_84 = arith.constant 0 : index
    %get3A_85 = arith.constant 128 : index
    %get3A_86 = vector.load %arg3[%get3A_84, %get3A_85] : memref<2048x768xf32, #tpu.memory_space<vmem>>, vector<2048x64xf32>
    %dot_general3A_87 = arith.constant dense<0.000000e+00> : vector<256x64xf32>
    %dot_general3A_88 = tpu.matmul %div3A_83, %get3A_86, %dot_general3A_87 {dimension_numbers = #tpu.dot_dimension_numbers<[1], [0], [0], [1], [0, 0, 1, 1], [], []>, transpose_lhs_hint = false} : vector<256x2048xf32>, vector<2048x64xf32>, vector<256x64xf32> -> vector<256x64xf32>
    %slice3A_89 = vector.extract_strided_slice %get3A_1 {offsets = [0, 192], sizes = [256, 64], strides = [1, 1]} : vector<256x768xf32> to vector<256x64xf32>
    %get3A_90 = arith.constant 0 : index
    %get3A_91 = arith.constant 192 : index
    %get3A_92 = vector.load %arg2[%get3A_90, %get3A_91] : memref<2048x768xf32, #tpu.memory_space<vmem>>, vector<2048x64xf32>
    %dot_general3A_93 = arith.constant dense<0.000000e+00> : vector<256x2048xf32>
    %dot_general3A_94 = tpu.matmul %slice3A_89, %get3A_92, %dot_general3A_93 {dimension_numbers = #tpu.dot_dimension_numbers<[1], [1], [0], [0], [0, 0, 1, 0], [], []>, transpose_lhs_hint = false} : vector<256x64xf32>, vector<2048x64xf32>, vector<256x2048xf32> -> vector<256x2048xf32>
    %mul3A_95 = arith.constant 1.250000e-01 : f32
    %mul3A_96 = vector.broadcast %mul3A_95 : f32 to vector<256x2048xf32>
    %mul3A_97 = arith.mulf %dot_general3A_94, %mul3A_96 : vector<256x2048xf32>
    %jit3A_98 = arith.constant -1.000000e+30 : f32
    %broadcast_in_dim3A_99 = vector.broadcast %jit3A_98 : f32 to vector<256x2048xf32>
    %select_n3A_100 = arith.select %gt3A_6, %mul3A_97, %broadcast_in_dim3A_99 : vector<256x2048xi1>, vector<256x2048xf32>
    %reduce_max3A_101 = arith.constant dense<0xFF800000> : vector<256xf32>
    %reduce_max3A_102 = vector.multi_reduction <maximumf>, %select_n3A_100, %reduce_max3A_101 [1] : vector<256x2048xf32> to vector<256xf32>
    %broadcast_in_dim3A_103 = vector.shape_cast %reduce_max3A_102 : vector<256xf32> to vector<256x1xf32>
    %sub3A_104 = vector.broadcast %broadcast_in_dim3A_103 : vector<256x1xf32> to vector<256x2048xf32>
    %sub3A_105 = arith.subf %select_n3A_100, %sub3A_104 : vector<256x2048xf32>
    %exp3A_106 = math.exp %sub3A_105 : vector<256x2048xf32>
    %jit3A_107 = arith.constant 0.000000e+00 : f32
    %broadcast_in_dim3A_108 = vector.broadcast %jit3A_107 : f32 to vector<256x2048xf32>
    %select_n3A_109 = arith.select %gt3A_6, %exp3A_106, %broadcast_in_dim3A_108 : vector<256x2048xi1>, vector<256x2048xf32>
    %reduce_sum3A_110 = arith.constant dense<0.000000e+00> : vector<256xf32>
    %reduce_sum3A_111 = vector.multi_reduction <add>, %select_n3A_109, %reduce_sum3A_110 [1] : vector<256x2048xf32> to vector<256xf32>
    %broadcast_in_dim3A_112 = vector.shape_cast %reduce_sum3A_111 : vector<256xf32> to vector<256x1xf32>
    %div3A_113 = vector.broadcast %broadcast_in_dim3A_112 : vector<256x1xf32> to vector<256x2048xf32>
    %div3A_114 = arith.divf %select_n3A_109, %div3A_113 : vector<256x2048xf32>
    %get3A_115 = arith.constant 0 : index
    %get3A_116 = arith.constant 192 : index
    %get3A_117 = vector.load %arg3[%get3A_115, %get3A_116] : memref<2048x768xf32, #tpu.memory_space<vmem>>, vector<2048x64xf32>
    %dot_general3A_118 = arith.constant dense<0.000000e+00> : vector<256x64xf32>
    %dot_general3A_119 = tpu.matmul %div3A_114, %get3A_117, %dot_general3A_118 {dimension_numbers = #tpu.dot_dimension_numbers<[1], [0], [0], [1], [0, 0, 1, 1], [], []>, transpose_lhs_hint = false} : vector<256x2048xf32>, vector<2048x64xf32>, vector<256x64xf32> -> vector<256x64xf32>
    %slice3A_120 = vector.extract_strided_slice %get3A_1 {offsets = [0, 256], sizes = [256, 64], strides = [1, 1]} : vector<256x768xf32> to vector<256x64xf32>
    %get3A_121 = arith.constant 0 : index
    %get3A_122 = arith.constant 256 : index
    %get3A_123 = vector.load %arg2[%get3A_121, %get3A_122] : memref<2048x768xf32, #tpu.memory_space<vmem>>, vector<2048x64xf32>
    %dot_general3A_124 = arith.constant dense<0.000000e+00> : vector<256x2048xf32>
    %dot_general3A_125 = tpu.matmul %slice3A_120, %get3A_123, %dot_general3A_124 {dimension_numbers = #tpu.dot_dimension_numbers<[1], [1], [0], [0], [0, 0, 1, 0], [], []>, transpose_lhs_hint = false} : vector<256x64xf32>, vector<2048x64xf32>, vector<256x2048xf32> -> vector<256x2048xf32>
    %mul3A_126 = arith.constant 1.250000e-01 : f32
    %mul3A_127 = vector.broadcast %mul3A_126 : f32 to vector<256x2048xf32>
    %mul3A_128 = arith.mulf %dot_general3A_125, %mul3A_127 : vector<256x2048xf32>
    %jit3A_129 = arith.constant -1.000000e+30 : f32
    %broadcast_in_dim3A_130 = vector.broadcast %jit3A_129 : f32 to vector<256x2048xf32>
    %select_n3A_131 = arith.select %gt3A_6, %mul3A_128, %broadcast_in_dim3A_130 : vector<256x2048xi1>, vector<256x2048xf32>
    %reduce_max3A_132 = arith.constant dense<0xFF800000> : vector<256xf32>
    %reduce_max3A_133 = vector.multi_reduction <maximumf>, %select_n3A_131, %reduce_max3A_132 [1] : vector<256x2048xf32> to vector<256xf32>
    %broadcast_in_dim3A_134 = vector.shape_cast %reduce_max3A_133 : vector<256xf32> to vector<256x1xf32>
    %sub3A_135 = vector.broadcast %broadcast_in_dim3A_134 : vector<256x1xf32> to vector<256x2048xf32>
    %sub3A_136 = arith.subf %select_n3A_131, %sub3A_135 : vector<256x2048xf32>
    %exp3A_137 = math.exp %sub3A_136 : vector<256x2048xf32>
    %jit3A_138 = arith.constant 0.000000e+00 : f32
    %broadcast_in_dim3A_139 = vector.broadcast %jit3A_138 : f32 to vector<256x2048xf32>
    %select_n3A_140 = arith.select %gt3A_6, %exp3A_137, %broadcast_in_dim3A_139 : vector<256x2048xi1>, vector<256x2048xf32>
    %reduce_sum3A_141 = arith.constant dense<0.000000e+00> : vector<256xf32>
    %reduce_sum3A_142 = vector.multi_reduction <add>, %select_n3A_140, %reduce_sum3A_141 [1] : vector<256x2048xf32> to vector<256xf32>
    %broadcast_in_dim3A_143 = vector.shape_cast %reduce_sum3A_142 : vector<256xf32> to vector<256x1xf32>
    %div3A_144 = vector.broadcast %broadcast_in_dim3A_143 : vector<256x1xf32> to vector<256x2048xf32>
    %div3A_145 = arith.divf %select_n3A_140, %div3A_144 : vector<256x2048xf32>
    %get3A_146 = arith.constant 0 : index
    %get3A_147 = arith.constant 256 : index
    %get3A_148 = vector.load %arg3[%get3A_146, %get3A_147] : memref<2048x768xf32, #tpu.memory_space<vmem>>, vector<2048x64xf32>
    %dot_general3A_149 = arith.constant dense<0.000000e+00> : vector<256x64xf32>
    %dot_general3A_150 = tpu.matmul %div3A_145, %get3A_148, %dot_general3A_149 {dimension_numbers = #tpu.dot_dimension_numbers<[1], [0], [0], [1], [0, 0, 1, 1], [], []>, transpose_lhs_hint = false} : vector<256x2048xf32>, vector<2048x64xf32>, vector<256x64xf32> -> vector<256x64xf32>
    %slice3A_151 = vector.extract_strided_slice %get3A_1 {offsets = [0, 320], sizes = [256, 64], strides = [1, 1]} : vector<256x768xf32> to vector<256x64xf32>
    %get3A_152 = arith.constant 0 : index
    %get3A_153 = arith.constant 320 : index
    %get3A_154 = vector.load %arg2[%get3A_152, %get3A_153] : memref<2048x768xf32, #tpu.memory_space<vmem>>, vector<2048x64xf32>
    %dot_general3A_155 = arith.constant dense<0.000000e+00> : vector<256x2048xf32>
    %dot_general3A_156 = tpu.matmul %slice3A_151, %get3A_154, %dot_general3A_155 {dimension_numbers = #tpu.dot_dimension_numbers<[1], [1], [0], [0], [0, 0, 1, 0], [], []>, transpose_lhs_hint = false} : vector<256x64xf32>, vector<2048x64xf32>, vector<256x2048xf32> -> vector<256x2048xf32>
    %mul3A_157 = arith.constant 1.250000e-01 : f32
    %mul3A_158 = vector.broadcast %mul3A_157 : f32 to vector<256x2048xf32>
    %mul3A_159 = arith.mulf %dot_general3A_156, %mul3A_158 : vector<256x2048xf32>
    %jit3A_160 = arith.constant -1.000000e+30 : f32
    %broadcast_in_dim3A_161 = vector.broadcast %jit3A_160 : f32 to vector<256x2048xf32>
    %select_n3A_162 = arith.select %gt3A_6, %mul3A_159, %broadcast_in_dim3A_161 : vector<256x2048xi1>, vector<256x2048xf32>
    %reduce_max3A_163 = arith.constant dense<0xFF800000> : vector<256xf32>
    %reduce_max3A_164 = vector.multi_reduction <maximumf>, %select_n3A_162, %reduce_max3A_163 [1] : vector<256x2048xf32> to vector<256xf32>
    %broadcast_in_dim3A_165 = vector.shape_cast %reduce_max3A_164 : vector<256xf32> to vector<256x1xf32>
    %sub3A_166 = vector.broadcast %broadcast_in_dim3A_165 : vector<256x1xf32> to vector<256x2048xf32>
    %sub3A_167 = arith.subf %select_n3A_162, %sub3A_166 : vector<256x2048xf32>
    %exp3A_168 = math.exp %sub3A_167 : vector<256x2048xf32>
    %jit3A_169 = arith.constant 0.000000e+00 : f32
    %broadcast_in_dim3A_170 = vector.broadcast %jit3A_169 : f32 to vector<256x2048xf32>
    %select_n3A_171 = arith.select %gt3A_6, %exp3A_168, %broadcast_in_dim3A_170 : vector<256x2048xi1>, vector<256x2048xf32>
    %reduce_sum3A_172 = arith.constant dense<0.000000e+00> : vector<256xf32>
    %reduce_sum3A_173 = vector.multi_reduction <add>, %select_n3A_171, %reduce_sum3A_172 [1] : vector<256x2048xf32> to vector<256xf32>
    %broadcast_in_dim3A_174 = vector.shape_cast %reduce_sum3A_173 : vector<256xf32> to vector<256x1xf32>
    %div3A_175 = vector.broadcast %broadcast_in_dim3A_174 : vector<256x1xf32> to vector<256x2048xf32>
    %div3A_176 = arith.divf %select_n3A_171, %div3A_175 : vector<256x2048xf32>
    %get3A_177 = arith.constant 0 : index
    %get3A_178 = arith.constant 320 : index
    %get3A_179 = vector.load %arg3[%get3A_177, %get3A_178] : memref<2048x768xf32, #tpu.memory_space<vmem>>, vector<2048x64xf32>
    %dot_general3A_180 = arith.constant dense<0.000000e+00> : vector<256x64xf32>
    %dot_general3A_181 = tpu.matmul %div3A_176, %get3A_179, %dot_general3A_180 {dimension_numbers = #tpu.dot_dimension_numbers<[1], [0], [0], [1], [0, 0, 1, 1], [], []>, transpose_lhs_hint = false} : vector<256x2048xf32>, vector<2048x64xf32>, vector<256x64xf32> -> vector<256x64xf32>
    %slice3A_182 = vector.extract_strided_slice %get3A_1 {offsets = [0, 384], sizes = [256, 64], strides = [1, 1]} : vector<256x768xf32> to vector<256x64xf32>
    %get3A_183 = arith.constant 0 : index
    %get3A_184 = arith.constant 384 : index
    %get3A_185 = vector.load %arg2[%get3A_183, %get3A_184] : memref<2048x768xf32, #tpu.memory_space<vmem>>, vector<2048x64xf32>
    %dot_general3A_186 = arith.constant dense<0.000000e+00> : vector<256x2048xf32>
    %dot_general3A_187 = tpu.matmul %slice3A_182, %get3A_185, %dot_general3A_186 {dimension_numbers = #tpu.dot_dimension_numbers<[1], [1], [0], [0], [0, 0, 1, 0], [], []>, transpose_lhs_hint = false} : vector<256x64xf32>, vector<2048x64xf32>, vector<256x2048xf32> -> vector<256x2048xf32>
    %mul3A_188 = arith.constant 1.250000e-01 : f32
    %mul3A_189 = vector.broadcast %mul3A_188 : f32 to vector<256x2048xf32>
    %mul3A_190 = arith.mulf %dot_general3A_187, %mul3A_189 : vector<256x2048xf32>
    %jit3A_191 = arith.constant -1.000000e+30 : f32
    %broadcast_in_dim3A_192 = vector.broadcast %jit3A_191 : f32 to vector<256x2048xf32>
    %select_n3A_193 = arith.select %gt3A_6, %mul3A_190, %broadcast_in_dim3A_192 : vector<256x2048xi1>, vector<256x2048xf32>
    %reduce_max3A_194 = arith.constant dense<0xFF800000> : vector<256xf32>
    %reduce_max3A_195 = vector.multi_reduction <maximumf>, %select_n3A_193, %reduce_max3A_194 [1] : vector<256x2048xf32> to vector<256xf32>
    %broadcast_in_dim3A_196 = vector.shape_cast %reduce_max3A_195 : vector<256xf32> to vector<256x1xf32>
    %sub3A_197 = vector.broadcast %broadcast_in_dim3A_196 : vector<256x1xf32> to vector<256x2048xf32>
    %sub3A_198 = arith.subf %select_n3A_193, %sub3A_197 : vector<256x2048xf32>
    %exp3A_199 = math.exp %sub3A_198 : vector<256x2048xf32>
    %jit3A_200 = arith.constant 0.000000e+00 : f32
    %broadcast_in_dim3A_201 = vector.broadcast %jit3A_200 : f32 to vector<256x2048xf32>
    %select_n3A_202 = arith.select %gt3A_6, %exp3A_199, %broadcast_in_dim3A_201 : vector<256x2048xi1>, vector<256x2048xf32>
    %reduce_sum3A_203 = arith.constant dense<0.000000e+00> : vector<256xf32>
    %reduce_sum3A_204 = vector.multi_reduction <add>, %select_n3A_202, %reduce_sum3A_203 [1] : vector<256x2048xf32> to vector<256xf32>
    %broadcast_in_dim3A_205 = vector.shape_cast %reduce_sum3A_204 : vector<256xf32> to vector<256x1xf32>
    %div3A_206 = vector.broadcast %broadcast_in_dim3A_205 : vector<256x1xf32> to vector<256x2048xf32>
    %div3A_207 = arith.divf %select_n3A_202, %div3A_206 : vector<256x2048xf32>
    %get3A_208 = arith.constant 0 : index
    %get3A_209 = arith.constant 384 : index
    %get3A_210 = vector.load %arg3[%get3A_208, %get3A_209] : memref<2048x768xf32, #tpu.memory_space<vmem>>, vector<2048x64xf32>
    %dot_general3A_211 = arith.constant dense<0.000000e+00> : vector<256x64xf32>
    %dot_general3A_212 = tpu.matmul %div3A_207, %get3A_210, %dot_general3A_211 {dimension_numbers = #tpu.dot_dimension_numbers<[1], [0], [0], [1], [0, 0, 1, 1], [], []>, transpose_lhs_hint = false} : vector<256x2048xf32>, vector<2048x64xf32>, vector<256x64xf32> -> vector<256x64xf32>
    %slice3A_213 = vector.extract_strided_slice %get3A_1 {offsets = [0, 448], sizes = [256, 64], strides = [1, 1]} : vector<256x768xf32> to vector<256x64xf32>
    %get3A_214 = arith.constant 0 : index
    %get3A_215 = arith.constant 448 : index
    %get3A_216 = vector.load %arg2[%get3A_214, %get3A_215] : memref<2048x768xf32, #tpu.memory_space<vmem>>, vector<2048x64xf32>
    %dot_general3A_217 = arith.constant dense<0.000000e+00> : vector<256x2048xf32>
    %dot_general3A_218 = tpu.matmul %slice3A_213, %get3A_216, %dot_general3A_217 {dimension_numbers = #tpu.dot_dimension_numbers<[1], [1], [0], [0], [0, 0, 1, 0], [], []>, transpose_lhs_hint = false} : vector<256x64xf32>, vector<2048x64xf32>, vector<256x2048xf32> -> vector<256x2048xf32>
    %mul3A_219 = arith.constant 1.250000e-01 : f32
    %mul3A_220 = vector.broadcast %mul3A_219 : f32 to vector<256x2048xf32>
    %mul3A_221 = arith.mulf %dot_general3A_218, %mul3A_220 : vector<256x2048xf32>
    %jit3A_222 = arith.constant -1.000000e+30 : f32
    %broadcast_in_dim3A_223 = vector.broadcast %jit3A_222 : f32 to vector<256x2048xf32>
    %select_n3A_224 = arith.select %gt3A_6, %mul3A_221, %broadcast_in_dim3A_223 : vector<256x2048xi1>, vector<256x2048xf32>
    %reduce_max3A_225 = arith.constant dense<0xFF800000> : vector<256xf32>
    %reduce_max3A_226 = vector.multi_reduction <maximumf>, %select_n3A_224, %reduce_max3A_225 [1] : vector<256x2048xf32> to vector<256xf32>
    %broadcast_in_dim3A_227 = vector.shape_cast %reduce_max3A_226 : vector<256xf32> to vector<256x1xf32>
    %sub3A_228 = vector.broadcast %broadcast_in_dim3A_227 : vector<256x1xf32> to vector<256x2048xf32>
    %sub3A_229 = arith.subf %select_n3A_224, %sub3A_228 : vector<256x2048xf32>
    %exp3A_230 = math.exp %sub3A_229 : vector<256x2048xf32>
    %jit3A_231 = arith.constant 0.000000e+00 : f32
    %broadcast_in_dim3A_232 = vector.broadcast %jit3A_231 : f32 to vector<256x2048xf32>
    %select_n3A_233 = arith.select %gt3A_6, %exp3A_230, %broadcast_in_dim3A_232 : vector<256x2048xi1>, vector<256x2048xf32>
    %reduce_sum3A_234 = arith.constant dense<0.000000e+00> : vector<256xf32>
    %reduce_sum3A_235 = vector.multi_reduction <add>, %select_n3A_233, %reduce_sum3A_234 [1] : vector<256x2048xf32> to vector<256xf32>
    %broadcast_in_dim3A_236 = vector.shape_cast %reduce_sum3A_235 : vector<256xf32> to vector<256x1xf32>
    %div3A_237 = vector.broadcast %broadcast_in_dim3A_236 : vector<256x1xf32> to vector<256x2048xf32>
    %div3A_238 = arith.divf %select_n3A_233, %div3A_237 : vector<256x2048xf32>
    %get3A_239 = arith.constant 0 : index
    %get3A_240 = arith.constant 448 : index
    %get3A_241 = vector.load %arg3[%get3A_239, %get3A_240] : memref<2048x768xf32, #tpu.memory_space<vmem>>, vector<2048x64xf32>
    %dot_general3A_242 = arith.constant dense<0.000000e+00> : vector<256x64xf32>
    %dot_general3A_243 = tpu.matmul %div3A_238, %get3A_241, %dot_general3A_242 {dimension_numbers = #tpu.dot_dimension_numbers<[1], [0], [0], [1], [0, 0, 1, 1], [], []>, transpose_lhs_hint = false} : vector<256x2048xf32>, vector<2048x64xf32>, vector<256x64xf32> -> vector<256x64xf32>
    %slice3A_244 = vector.extract_strided_slice %get3A_1 {offsets = [0, 512], sizes = [256, 64], strides = [1, 1]} : vector<256x768xf32> to vector<256x64xf32>
    %get3A_245 = arith.constant 0 : index
    %get3A_246 = arith.constant 512 : index
    %get3A_247 = vector.load %arg2[%get3A_245, %get3A_246] : memref<2048x768xf32, #tpu.memory_space<vmem>>, vector<2048x64xf32>
    %dot_general3A_248 = arith.constant dense<0.000000e+00> : vector<256x2048xf32>
    %dot_general3A_249 = tpu.matmul %slice3A_244, %get3A_247, %dot_general3A_248 {dimension_numbers = #tpu.dot_dimension_numbers<[1], [1], [0], [0], [0, 0, 1, 0], [], []>, transpose_lhs_hint = false} : vector<256x64xf32>, vector<2048x64xf32>, vector<256x2048xf32> -> vector<256x2048xf32>
    %mul3A_250 = arith.constant 1.250000e-01 : f32
    %mul3A_251 = vector.broadcast %mul3A_250 : f32 to vector<256x2048xf32>
    %mul3A_252 = arith.mulf %dot_general3A_249, %mul3A_251 : vector<256x2048xf32>
    %jit3A_253 = arith.constant -1.000000e+30 : f32
    %broadcast_in_dim3A_254 = vector.broadcast %jit3A_253 : f32 to vector<256x2048xf32>
    %select_n3A_255 = arith.select %gt3A_6, %mul3A_252, %broadcast_in_dim3A_254 : vector<256x2048xi1>, vector<256x2048xf32>
    %reduce_max3A_256 = arith.constant dense<0xFF800000> : vector<256xf32>
    %reduce_max3A_257 = vector.multi_reduction <maximumf>, %select_n3A_255, %reduce_max3A_256 [1] : vector<256x2048xf32> to vector<256xf32>
    %broadcast_in_dim3A_258 = vector.shape_cast %reduce_max3A_257 : vector<256xf32> to vector<256x1xf32>
    %sub3A_259 = vector.broadcast %broadcast_in_dim3A_258 : vector<256x1xf32> to vector<256x2048xf32>
    %sub3A_260 = arith.subf %select_n3A_255, %sub3A_259 : vector<256x2048xf32>
    %exp3A_261 = math.exp %sub3A_260 : vector<256x2048xf32>
    %jit3A_262 = arith.constant 0.000000e+00 : f32
    %broadcast_in_dim3A_263 = vector.broadcast %jit3A_262 : f32 to vector<256x2048xf32>
    %select_n3A_264 = arith.select %gt3A_6, %exp3A_261, %broadcast_in_dim3A_263 : vector<256x2048xi1>, vector<256x2048xf32>
    %reduce_sum3A_265 = arith.constant dense<0.000000e+00> : vector<256xf32>
    %reduce_sum3A_266 = vector.multi_reduction <add>, %select_n3A_264, %reduce_sum3A_265 [1] : vector<256x2048xf32> to vector<256xf32>
    %broadcast_in_dim3A_267 = vector.shape_cast %reduce_sum3A_266 : vector<256xf32> to vector<256x1xf32>
    %div3A_268 = vector.broadcast %broadcast_in_dim3A_267 : vector<256x1xf32> to vector<256x2048xf32>
    %div3A_269 = arith.divf %select_n3A_264, %div3A_268 : vector<256x2048xf32>
    %get3A_270 = arith.constant 0 : index
    %get3A_271 = arith.constant 512 : index
    %get3A_272 = vector.load %arg3[%get3A_270, %get3A_271] : memref<2048x768xf32, #tpu.memory_space<vmem>>, vector<2048x64xf32>
    %dot_general3A_273 = arith.constant dense<0.000000e+00> : vector<256x64xf32>
    %dot_general3A_274 = tpu.matmul %div3A_269, %get3A_272, %dot_general3A_273 {dimension_numbers = #tpu.dot_dimension_numbers<[1], [0], [0], [1], [0, 0, 1, 1], [], []>, transpose_lhs_hint = false} : vector<256x2048xf32>, vector<2048x64xf32>, vector<256x64xf32> -> vector<256x64xf32>
    %slice3A_275 = vector.extract_strided_slice %get3A_1 {offsets = [0, 576], sizes = [256, 64], strides = [1, 1]} : vector<256x768xf32> to vector<256x64xf32>
    %get3A_276 = arith.constant 0 : index
    %get3A_277 = arith.constant 576 : index
    %get3A_278 = vector.load %arg2[%get3A_276, %get3A_277] : memref<2048x768xf32, #tpu.memory_space<vmem>>, vector<2048x64xf32>
    %dot_general3A_279 = arith.constant dense<0.000000e+00> : vector<256x2048xf32>
    %dot_general3A_280 = tpu.matmul %slice3A_275, %get3A_278, %dot_general3A_279 {dimension_numbers = #tpu.dot_dimension_numbers<[1], [1], [0], [0], [0, 0, 1, 0], [], []>, transpose_lhs_hint = false} : vector<256x64xf32>, vector<2048x64xf32>, vector<256x2048xf32> -> vector<256x2048xf32>
    %mul3A_281 = arith.constant 1.250000e-01 : f32
    %mul3A_282 = vector.broadcast %mul3A_281 : f32 to vector<256x2048xf32>
    %mul3A_283 = arith.mulf %dot_general3A_280, %mul3A_282 : vector<256x2048xf32>
    %jit3A_284 = arith.constant -1.000000e+30 : f32
    %broadcast_in_dim3A_285 = vector.broadcast %jit3A_284 : f32 to vector<256x2048xf32>
    %select_n3A_286 = arith.select %gt3A_6, %mul3A_283, %broadcast_in_dim3A_285 : vector<256x2048xi1>, vector<256x2048xf32>
    %reduce_max3A_287 = arith.constant dense<0xFF800000> : vector<256xf32>
    %reduce_max3A_288 = vector.multi_reduction <maximumf>, %select_n3A_286, %reduce_max3A_287 [1] : vector<256x2048xf32> to vector<256xf32>
    %broadcast_in_dim3A_289 = vector.shape_cast %reduce_max3A_288 : vector<256xf32> to vector<256x1xf32>
    %sub3A_290 = vector.broadcast %broadcast_in_dim3A_289 : vector<256x1xf32> to vector<256x2048xf32>
    %sub3A_291 = arith.subf %select_n3A_286, %sub3A_290 : vector<256x2048xf32>
    %exp3A_292 = math.exp %sub3A_291 : vector<256x2048xf32>
    %jit3A_293 = arith.constant 0.000000e+00 : f32
    %broadcast_in_dim3A_294 = vector.broadcast %jit3A_293 : f32 to vector<256x2048xf32>
    %select_n3A_295 = arith.select %gt3A_6, %exp3A_292, %broadcast_in_dim3A_294 : vector<256x2048xi1>, vector<256x2048xf32>
    %reduce_sum3A_296 = arith.constant dense<0.000000e+00> : vector<256xf32>
    %reduce_sum3A_297 = vector.multi_reduction <add>, %select_n3A_295, %reduce_sum3A_296 [1] : vector<256x2048xf32> to vector<256xf32>
    %broadcast_in_dim3A_298 = vector.shape_cast %reduce_sum3A_297 : vector<256xf32> to vector<256x1xf32>
    %div3A_299 = vector.broadcast %broadcast_in_dim3A_298 : vector<256x1xf32> to vector<256x2048xf32>
    %div3A_300 = arith.divf %select_n3A_295, %div3A_299 : vector<256x2048xf32>
    %get3A_301 = arith.constant 0 : index
    %get3A_302 = arith.constant 576 : index
    %get3A_303 = vector.load %arg3[%get3A_301, %get3A_302] : memref<2048x768xf32, #tpu.memory_space<vmem>>, vector<2048x64xf32>
    %dot_general3A_304 = arith.constant dense<0.000000e+00> : vector<256x64xf32>
    %dot_general3A_305 = tpu.matmul %div3A_300, %get3A_303, %dot_general3A_304 {dimension_numbers = #tpu.dot_dimension_numbers<[1], [0], [0], [1], [0, 0, 1, 1], [], []>, transpose_lhs_hint = false} : vector<256x2048xf32>, vector<2048x64xf32>, vector<256x64xf32> -> vector<256x64xf32>
    %slice3A_306 = vector.extract_strided_slice %get3A_1 {offsets = [0, 640], sizes = [256, 64], strides = [1, 1]} : vector<256x768xf32> to vector<256x64xf32>
    %get3A_307 = arith.constant 0 : index
    %get3A_308 = arith.constant 640 : index
    %get3A_309 = vector.load %arg2[%get3A_307, %get3A_308] : memref<2048x768xf32, #tpu.memory_space<vmem>>, vector<2048x64xf32>
    %dot_general3A_310 = arith.constant dense<0.000000e+00> : vector<256x2048xf32>
    %dot_general3A_311 = tpu.matmul %slice3A_306, %get3A_309, %dot_general3A_310 {dimension_numbers = #tpu.dot_dimension_numbers<[1], [1], [0], [0], [0, 0, 1, 0], [], []>, transpose_lhs_hint = false} : vector<256x64xf32>, vector<2048x64xf32>, vector<256x2048xf32> -> vector<256x2048xf32>
    %mul3A_312 = arith.constant 1.250000e-01 : f32
    %mul3A_313 = vector.broadcast %mul3A_312 : f32 to vector<256x2048xf32>
    %mul3A_314 = arith.mulf %dot_general3A_311, %mul3A_313 : vector<256x2048xf32>
    %jit3A_315 = arith.constant -1.000000e+30 : f32
    %broadcast_in_dim3A_316 = vector.broadcast %jit3A_315 : f32 to vector<256x2048xf32>
    %select_n3A_317 = arith.select %gt3A_6, %mul3A_314, %broadcast_in_dim3A_316 : vector<256x2048xi1>, vector<256x2048xf32>
    %reduce_max3A_318 = arith.constant dense<0xFF800000> : vector<256xf32>
    %reduce_max3A_319 = vector.multi_reduction <maximumf>, %select_n3A_317, %reduce_max3A_318 [1] : vector<256x2048xf32> to vector<256xf32>
    %broadcast_in_dim3A_320 = vector.shape_cast %reduce_max3A_319 : vector<256xf32> to vector<256x1xf32>
    %sub3A_321 = vector.broadcast %broadcast_in_dim3A_320 : vector<256x1xf32> to vector<256x2048xf32>
    %sub3A_322 = arith.subf %select_n3A_317, %sub3A_321 : vector<256x2048xf32>
    %exp3A_323 = math.exp %sub3A_322 : vector<256x2048xf32>
    %jit3A_324 = arith.constant 0.000000e+00 : f32
    %broadcast_in_dim3A_325 = vector.broadcast %jit3A_324 : f32 to vector<256x2048xf32>
    %select_n3A_326 = arith.select %gt3A_6, %exp3A_323, %broadcast_in_dim3A_325 : vector<256x2048xi1>, vector<256x2048xf32>
    %reduce_sum3A_327 = arith.constant dense<0.000000e+00> : vector<256xf32>
    %reduce_sum3A_328 = vector.multi_reduction <add>, %select_n3A_326, %reduce_sum3A_327 [1] : vector<256x2048xf32> to vector<256xf32>
    %broadcast_in_dim3A_329 = vector.shape_cast %reduce_sum3A_328 : vector<256xf32> to vector<256x1xf32>
    %div3A_330 = vector.broadcast %broadcast_in_dim3A_329 : vector<256x1xf32> to vector<256x2048xf32>
    %div3A_331 = arith.divf %select_n3A_326, %div3A_330 : vector<256x2048xf32>
    %get3A_332 = arith.constant 0 : index
    %get3A_333 = arith.constant 640 : index
    %get3A_334 = vector.load %arg3[%get3A_332, %get3A_333] : memref<2048x768xf32, #tpu.memory_space<vmem>>, vector<2048x64xf32>
    %dot_general3A_335 = arith.constant dense<0.000000e+00> : vector<256x64xf32>
    %dot_general3A_336 = tpu.matmul %div3A_331, %get3A_334, %dot_general3A_335 {dimension_numbers = #tpu.dot_dimension_numbers<[1], [0], [0], [1], [0, 0, 1, 1], [], []>, transpose_lhs_hint = false} : vector<256x2048xf32>, vector<2048x64xf32>, vector<256x64xf32> -> vector<256x64xf32>
    %slice3A_337 = vector.extract_strided_slice %get3A_1 {offsets = [0, 704], sizes = [256, 64], strides = [1, 1]} : vector<256x768xf32> to vector<256x64xf32>
    %get3A_338 = arith.constant 0 : index
    %get3A_339 = arith.constant 704 : index
    %get3A_340 = vector.load %arg2[%get3A_338, %get3A_339] : memref<2048x768xf32, #tpu.memory_space<vmem>>, vector<2048x64xf32>
    %dot_general3A_341 = arith.constant dense<0.000000e+00> : vector<256x2048xf32>
    %dot_general3A_342 = tpu.matmul %slice3A_337, %get3A_340, %dot_general3A_341 {dimension_numbers = #tpu.dot_dimension_numbers<[1], [1], [0], [0], [0, 0, 1, 0], [], []>, transpose_lhs_hint = false} : vector<256x64xf32>, vector<2048x64xf32>, vector<256x2048xf32> -> vector<256x2048xf32>
    %mul3A_343 = arith.constant 1.250000e-01 : f32
    %mul3A_344 = vector.broadcast %mul3A_343 : f32 to vector<256x2048xf32>
    %mul3A_345 = arith.mulf %dot_general3A_342, %mul3A_344 : vector<256x2048xf32>
    %jit3A_346 = arith.constant -1.000000e+30 : f32
    %broadcast_in_dim3A_347 = vector.broadcast %jit3A_346 : f32 to vector<256x2048xf32>
    %select_n3A_348 = arith.select %gt3A_6, %mul3A_345, %broadcast_in_dim3A_347 : vector<256x2048xi1>, vector<256x2048xf32>
    %reduce_max3A_349 = arith.constant dense<0xFF800000> : vector<256xf32>
    %reduce_max3A_350 = vector.multi_reduction <maximumf>, %select_n3A_348, %reduce_max3A_349 [1] : vector<256x2048xf32> to vector<256xf32>
    %broadcast_in_dim3A_351 = vector.shape_cast %reduce_max3A_350 : vector<256xf32> to vector<256x1xf32>
    %sub3A_352 = vector.broadcast %broadcast_in_dim3A_351 : vector<256x1xf32> to vector<256x2048xf32>
    %sub3A_353 = arith.subf %select_n3A_348, %sub3A_352 : vector<256x2048xf32>
    %exp3A_354 = math.exp %sub3A_353 : vector<256x2048xf32>
    %jit3A_355 = arith.constant 0.000000e+00 : f32
    %broadcast_in_dim3A_356 = vector.broadcast %jit3A_355 : f32 to vector<256x2048xf32>
    %select_n3A_357 = arith.select %gt3A_6, %exp3A_354, %broadcast_in_dim3A_356 : vector<256x2048xi1>, vector<256x2048xf32>
    %reduce_sum3A_358 = arith.constant dense<0.000000e+00> : vector<256xf32>
    %reduce_sum3A_359 = vector.multi_reduction <add>, %select_n3A_357, %reduce_sum3A_358 [1] : vector<256x2048xf32> to vector<256xf32>
    %broadcast_in_dim3A_360 = vector.shape_cast %reduce_sum3A_359 : vector<256xf32> to vector<256x1xf32>
    %div3A_361 = vector.broadcast %broadcast_in_dim3A_360 : vector<256x1xf32> to vector<256x2048xf32>
    %div3A_362 = arith.divf %select_n3A_357, %div3A_361 : vector<256x2048xf32>
    %get3A_363 = arith.constant 0 : index
    %get3A_364 = arith.constant 704 : index
    %get3A_365 = vector.load %arg3[%get3A_363, %get3A_364] : memref<2048x768xf32, #tpu.memory_space<vmem>>, vector<2048x64xf32>
    %dot_general3A_366 = arith.constant dense<0.000000e+00> : vector<256x64xf32>
    %dot_general3A_367 = tpu.matmul %div3A_362, %get3A_365, %dot_general3A_366 {dimension_numbers = #tpu.dot_dimension_numbers<[1], [0], [0], [1], [0, 0, 1, 1], [], []>, transpose_lhs_hint = false} : vector<256x2048xf32>, vector<2048x64xf32>, vector<256x64xf32> -> vector<256x64xf32>
    %concatenate3A = tpu.concatenate %dot_general3A_26, %dot_general3A_57, %dot_general3A_88, %dot_general3A_119, %dot_general3A_150, %dot_general3A_181, %dot_general3A_212, %dot_general3A_243, %dot_general3A_274, %dot_general3A_305, %dot_general3A_336, %dot_general3A_367 in 1 : vector<256x64xf32>, vector<256x64xf32>, vector<256x64xf32>, vector<256x64xf32>, vector<256x64xf32>, vector<256x64xf32>, vector<256x64xf32>, vector<256x64xf32>, vector<256x64xf32>, vector<256x64xf32>, vector<256x64xf32>, vector<256x64xf32> -> vector<256x768xf32>
    %get3A_368 = arith.constant 0 : index
    %get3A_369 = arith.constant 0 : index
    %get3A_370 = vector.load %arg5[%get3A_368, %get3A_369] : memref<256x768xf32, #tpu.memory_space<vmem>>, vector<256x768xf32>
    %mul3A_371 = arith.mulf %concatenate3A, %get3A_370 : vector<256x768xf32>
    %get3A_372 = arith.constant 0 : index
    %get3A_373 = arith.constant 0 : index
    %get3A_374 = vector.load %arg6[%get3A_372, %get3A_373] : memref<768x768xf32, #tpu.memory_space<vmem>>, vector<768x768xf32>
    %dot_general3A_375 = arith.constant dense<0.000000e+00> : vector<256x768xf32>
    %dot_general3A_376 = tpu.matmul %mul3A_371, %get3A_374, %dot_general3A_375 {dimension_numbers = #tpu.dot_dimension_numbers<[1], [0], [0], [1], [0, 0, 1, 1], [], []>, transpose_lhs_hint = false} : vector<256x768xf32>, vector<768x768xf32>, vector<256x768xf32> -> vector<256x768xf32>
    %swap3A = arith.constant 0 : index
    %swap3A_377 = arith.constant 0 : index
    %swap3A_378 = vector.load %arg7[%swap3A, %swap3A_377] : memref<256x768xf32, #tpu.memory_space<vmem>>, vector<256x768xf32>
    tpu.vector_store %arg7[%swap3A, %swap3A_377], %dot_general3A_376 {strides = array<i32>} : memref<256x768xf32, #tpu.memory_space<vmem>>, vector<256x768xf32>,
    return
  }
  func.func @transform_0(%arg0: i32) -> (i32, i32) {
    %c0_i32 = arith.constant 0 : i32
    %c0_i32_0 = arith.constant 0 : i32
    return %arg0, %c0_i32 : i32, i32
  }
  func.func @transform_1(%arg0: i32) -> (i32, i32) {
    %c0_i32 = arith.constant 0 : i32
    %c0_i32_0 = arith.constant 0 : i32
    %c0_i32_1 = arith.constant 0 : i32
    return %c0_i32, %c0_i32_0 : i32, i32
  }
  func.func @transform_2(%arg0: i32) -> (i32, i32) {
    %c0_i32 = arith.constant 0 : i32
    %c0_i32_0 = arith.constant 0 : i32
    %c0_i32_1 = arith.constant 0 : i32
    return %c0_i32, %c0_i32_0 : i32, i32
  }
  func.func @transform_3(%arg0: i32) -> (i32, i32) {
    %c0_i32 = arith.constant 0 : i32
    %c0_i32_0 = arith.constant 0 : i32
    return %arg0, %c0_i32 : i32, i32
  }
  func.func @transform_4(%arg0: i32) -> (i32, i32) {
    %c0_i32 = arith.constant 0 : i32
    %c0_i32_0 = arith.constant 0 : i32
    return %arg0, %c0_i32 : i32, i32
  }
  func.func @transform_5(%arg0: i32) -> (i32, i32) {
    %c0_i32 = arith.constant 0 : i32
    %c0_i32_0 = arith.constant 0 : i32
    %c0_i32_1 = arith.constant 0 : i32
    return %c0_i32, %c0_i32_0 : i32, i32
  }
  func.func @transform_6(%arg0: i32) -> (i32, i32) {
    %c0_i32 = arith.constant 0 : i32
    %c0_i32_0 = arith.constant 0 : i32
    return %arg0, %c0_i32 : i32, i32
  }
}

</mosaic_0001>

<sc_bundles>
// kernel: gather_offload_async_start
scs
__scs_entry_jumppad:
0x0: {  	(pc) =	sbr.rel $0x88, $3  }
0x1: {  	(tag) =	ssettag $0x0;
	lr =	simm.s32 $0x1  }
0x2: {  	[smem:$0x3F93] =	sst lr;
	_ =	strace $0xD0000000  }
0x3: {  	_ = 	snop  }
0x4: {  	_ = 	snop  }
0x5: {  	_ = 	snop  }
0x6: {  	_ = 	snop  }
0x7: {  	_ = 	snop  }
__scs_overlays_trampoline_lowered:
0x8: {  	[smem:$0x3FA2] =	sst s0  }
0x9: {  	[smem:$0x3FA3] =	sst s1  }
0xa: {  	[smem:$0x3FA4] =	sst s2  }
0xb: {  	[smem:$0x3FA5] =	sst s3  }
0xc: {  	[smem:$0x3FA6] =	sst s4  }
0xd: {  	[smem:$0x3FA7] =	sst s5  }
0xe: {  	[smem:$0x3FA8] =	sst s6  }
0xf: {  	[smem:$0x3FA9] =	sst s7  }
0x10: {  	[smem:$0x3FAA] =	sst s8  }
0x11: {  	[smem:$0x3FAB] =	sst s9;
	s0 =	simm.s32 @!p0 $0x0  }
0x12: {  	s1 =	sld [smem:$0x3F91];
	s0 =	simm.s32 @p0 $0x1  }
0x13: {  	[smem:$0x3FAC] =	sst s0;
	s0 =	simm.s32 @!p1 $0x0  }
0x14: {  	s2 =	sld [smem:$0x3F90];
	s0 =	simm.s32 @p1 $0x1  }
0x15: {  	[smem:$0x3FAD] =	sst s0;
	s0 =	simm.s32 @!p2 $0x0  }
0x16: {  	s3 =	sld [smem:$0x3FDB];
	s0 =	simm.s32 @p2 $0x1  }
0x17: {  	s4 =	simm.s32 $0x1BF5;
	[smem:$0x3FAF] =	sst s0  }
0x18: {  	s0 =	sld [smem:$0x3F92];
	_ =	swait.ge [sflag:s4], $0x0  }
0x19: {  	s7 =	sld [smem:$0x3F93]  }
0x1a: {  	s8 =	sadd.s32 $0xFFFFE003, lr  }
0x1b: {  	s9 =	sadd.s32 $0xFFFFFEF7, lr;
	s5 =	simm.s32 $0xFFFFFFFF;
	p2 =	slt.u32 s8, $0xFFFFF086  }
0x1c: {  	p1 =	slt.u32 s9, $0xF7A;
	s5 =	simm.s32 @!p2 $0x0  }
0x1d: {  	s5 =	simm.s32 @p1 $0x1;
	p0 =	seq.s32 s7, s2  }
0x1e: {  	s7 =	smul.u32 @!p0 $0xF7A, s2;
	p2 =	seq.s32 @!p0 s5, $0x0  }
0x1f: {  	s9 =	smul.u32 $0xF7A, s1;
	s8 =	simm.s32 @!p0 $0x1BF5;
	p2 =	por !p2, p0  }
0x20: {  	[sflag:s8] =	ssyncset.s32 @!p0 $0xFFFFF086;
	s6 =	sadd.s32 @!p0 s3, s7;
	s7 =	simm.s32 @!p0 $0x108  }
0x21: {  	s3 =	sadd.s32 s3, s9;
	s6 =	sadd.s32 @!p0 $0x88, s6;
	s7 =	simm.s32 @p2 $0x1082  }
0x22: {  	[simem:s7], [sflag:s8] =	dma.local @!p0 [hbm:s6], $0xF7A  }
0x23: {  	s9 =	sor.u32 $0xD0000000, s2;
	s6 =	simm.s32 $0x108;
	_ =	swait.ge @!p0 [sflag:s8], $0x0  }
0x24: {  	s3 =	sadd.s32 $0x88, s3;
	s6 =	simm.s32 @!p1 $0x1082;
	[sflag:s4] =	ssyncset.s32 $0xFFFFF086  }
0x25: {  	[simem:s6], [sflag:s4] =	dma.local [hbm:s3], $0xF7A  }
0x26: {  	[smem:$0x3F93] =	sst s1;
	(tag) =	ssettag s2;
	_ =	strace s9  }
0x27: {  	s1 =	sld [smem:$0x3FA3]  }
0x28: {  	s2 =	sld [smem:$0x3FA4]  }
0x29: {  	s4 =	sld [smem:$0x3FA6]  }
0x2a: {  	p0 =	seq.s32 s5, $0x0;
	s5 =	sld [smem:$0x3FA7]  }
0x2b: {  	s6 =	sld [smem:$0x3FA8]  }
0x2c: {  	s7 =	sld [smem:$0x3FA9]  }
0x2d: {  	s3 =	simm.s32 $0x108;
	s8 =	sld [smem:$0x3FAA]  }
0x2e: {  	s3 =	simm.s32 @!p0 $0x1082;
	s9 =	sld [smem:$0x3FAB]  }
0x2f: {  	lr =	sadd.s32 s0, s3;
	s0 =	sld [smem:$0x3FA2]  }
0x30: {  	s3 =	sld [smem:$0x3FA5]  }
0x31: {  	[smem:$0x3FAE] =	sst s10  }
0x32: {  	s10 =	sld [smem:$0x3FAC];
	_ =	sdelay $0x3  }
0x33: {  	p0 =	seq.s32 s10, $0x1;
	s10 =	sld [smem:$0x3FAE];
	_ =	sdelay $0x3  }
0x34: {  	[smem:$0x3FAE] =	sst s10  }
0x35: {  	s10 =	sld [smem:$0x3FAD];
	_ =	sdelay $0x3  }
0x36: {  	p1 =	seq.s32 s10, $0x1;
	s10 =	sld [smem:$0x3FAE];
	_ =	sdelay $0x3  }
0x37: {  	[smem:$0x3FAE] =	sst s10  }
0x38: {  	s10 =	sld [smem:$0x3FAF]  }
0x39: {  	_ = 	snop;
	(pc) =	sbr.ind lr, $3  }
0x3a: {  	_ = 	snop  }
0x3b: {  	_ = 	snop  }
0x3c: {  	p2 =	seq.s32 s10, $0x1;
	s10 =	sld [smem:$0x3FAE]  }
0x3d: {  	_ =	shalt  }
0x3e: {  	_ =	shalt  }
0x3f: {  	_ =	shalt  }
0x40: {  	_ =	shalt  }
0x41: {  	_ =	shalt  }
0x42: {  	_ =	shalt  }
0x43: {  	_ =	shalt  }
0x44: {  	_ =	shalt  }
0x45: {  	_ =	shalt  }
0x46: {  	_ =	shalt  }
0x47: {  	_ =	shalt  }
0x48: {  	_ =	shalt  }
0x49: {  	_ =	shalt  }
0x4a: {  	_ =	shalt  }
0x4b: {  	_ =	shalt  }
0x4c: {  	_ =	shalt  }
0x4d: {  	_ =	shalt  }
0x4e: {  	_ =	shalt  }
0x4f: {  	_ =	shalt  }
0x50: {  	_ =	shalt  }
0x51: {  	_ =	shalt  }
0x52: {  	_ =	shalt  }
0x53: {  	_ =	shalt  }
0x54: {  	_ =	shalt  }
0x55: {  	_ =	shalt  }
0x56: {  	_ =	shalt  }
0x57: {  	_ =	shalt  }
0x58: {  	_ =	shalt  }
0x59: {  	_ =	shalt  }
0x5a: {  	_ =	shalt  }
0x5b: {  	_ =	shalt  }
0x5c: {  	_ =	shalt  }
0x5d: {  	_ =	shalt  }
0x5e: {  	_ =	shalt  }
0x5f: {  	_ =	shalt  }
0x60: {  	_ =	shalt  }
0x61: {  	_ =	shalt  }
0x62: {  	_ =	shalt  }
0x63: {  	_ =	shalt  }
0x64: {  	_ =	shalt  }
0x65: {  	_ =	shalt  }
0x66: {  	_ =	shalt  }
0x67: {  	_ =	shalt  }
0x68: {  	_ =	shalt  }
0x69: {  	_ =	shalt  }
0x6a: {  	_ =	shalt  }
0x6b: {  	_ =	shalt  }
0x6c: {  	_ =	shalt  }
0x6d: {  	_ =	shalt  }
0x6e: {  	_ =	shalt  }
0x6f: {  	_ =	shalt  }
0x70: {  	_ =	shalt  }
0x71: {  	_ =	shalt  }
0x72: {  	_ =	shalt  }
0x73: {  	_ =	shalt  }
0x74: {  	_ =	shalt  }
0x75: {  	_ =	shalt  }
0x76: {  	_ =	shalt  }
0x77: {  	_ =	shalt  }
0x78: {  	_ =	shalt  }
0x79: {  	_ =	shalt  }
0x7a: {  	_ =	shalt  }
0x7b: {  	_ =	shalt  }
0x7c: {  	_ =	shalt  }
0x7d: {  	_ =	shalt  }
0x7e: {  	_ =	shalt  }
0x7f: {  	_ =	shalt  }
0x80: {  	_ =	shalt  }
0x81: {  	_ =	shalt  }
0x82: {  	_ =	shalt  }
0x83: {  	_ =	shalt  }
0x84: {  	_ =	shalt  }
0x85: {  	_ =	shalt  }
0x86: {  	_ =	shalt  }
0x87: {  	_ =	shalt  }
.Lfunc_end0:
.L_simem_size_0:
called_computation.1_lowered:
.L_overlay_start_0:
0x88: {  	s2 =	sld [smem:$0x3FD9]  }
0x89: {  	s3 =	sld [smem:$0x3FFE];
	_ =	sdelay $0x1  }
0x8a: {  	s1 =	srdreg.scid  }
0x8b: {  	s0 =	sand.u32 $0x1, s1  }
0x8c: {  	s16 =	sshll.u32 s0, $0xA;
	s2 =	sadd.s32 s3, s2  }
0x8d: {  	s2 =	sadd.s32 s2, s16  }
0x8e: {  	[smem:$0x3FBA] =	sst s2  }
0x8f: {  	_ = 	snop  }
0x90: {  	(tm) =	ssettm $0x1  }
0x91: {  	s17 =	sld [smem:$0x3FFB];
	_ =	sdelay $0x3  }
0x92: {  	_ =	strace s17  }
0x93: {  	s2 =	sld [smem:$0x3FFC];
	_ =	sdelay $0x3  }
0x94: {  	_ =	strace s2  }
0x95: {  	s2 =	sld [smem:$0x3FFD];
	_ =	sdelay $0x3  }
0x96: {  	_ =	strace s2  }
0x97: {  	_ =	strace $0x8FFFFFFF  }
0x98: {  	s18 =	sld [smem:$0x3FDB];
	_ =	sdelay $0x1  }
0x99: {  	s19 =	simm.s32 $_scs_section_size  }
0x9a: {  	s4 =	simm.s32 $_size__tile_overlayer_lowered;
	s5 =	simm.s32 $_tile_overlayer_lowered  }
0x9b: {  	s22 =	simm.s32 $0x1BFF;
	s21 =	sshll.u32 s5, $0x1;
	s2 =	sadd.s32 s19, s18  }
0x9c: {  	s6 =	simm.s32 $0x0;
	s20 =	sshll.u32 s4, $0x1;
	s4 =	sadd.s32 s21, s2  }
0x9d: {  	[timem:s6], [sflag:s22] =	dma.local [hbm:s4], s20  }
0x9e: {  	_ =	swait.ge [sflag:s22], s20  }
0x9f: {  	s3 =	ssub.s32 $0x0, s20;
	[sflag:s22] =	ssyncset.done $0x0  }
0xa0: {  	[sflag:s22] =	ssyncadd.s32 s3;
	_ =	sdelay $0x1  }
0xa1: {  	s23 =	simm.s32 $0x1B8B  }
0xa2: {  	_ =	swait.ge [sflag:s23], $0x1  }
0xa3: {  	[sflag:s23] =	ssyncset.done $0x0  }
0xa4: {  	s25 =	simm.s32 $0x1B8E;
	s24 =	sld [smem:$0x3FFE];
	[sflag:s23] =	ssyncadd.s32 $0xFFFFFFFF  }
0xa5: {  	s26 =	simm.s32 $execute0_lowered;
	[smem:$0x3FD2] =	sst s25  }
0xa6: {  	s4 =	sshll.u32 s26, $0x1;
	_ =	strace $0x80000046;
	[dreg:$0x1] =	wrdreg $0xFFFFFFFF  }
0xa7: {  	s28 =	simm.s32 $_size_execute0_lowered;
	s2 =	sadd.s32 s2, s4;
	[dreg:$0x0] =	wrdreg $0x0  }
0xa8: {  	s4 =	sshll.u32 s28, $0x1;
	[dreg:$0x2] =	wrdreg s2  }
0xa9: {  	[dreg:$0x3] =	wrdreg s4  }
0xaa: {  	[dreg:$0x4] =	wrdreg $0xC0  }
0xab: {  	_ =	task [dreg:s6], $0x5FFFF  }
0xac: {  	[dreg:$0x1] =	wrdreg $0xFFFFFFFF  }
0xad: {  	[dreg:$0x0] =	wrdreg $0x60  }
0xae: {  	[dreg:$0x2] =	wrdreg s24  }
0xaf: {  	[dreg:$0x3] =	wrdreg $0x9  }
0xb0: {  	_ =	task.clear_ibuf [dreg:s6], $0x4FFFF;
	_ =	strace $0x90000046  }
0xb1: {  	s29 =	simm.s32 $0x9;
	_ =	strace $0x80000048  }
0xb2: {  	_ =	swait.ge [sflag:s29], $0x1  }
0xb3: {  	[sflag:s29] =	ssyncadd.s32 $0xFFFFFFFF  }
0xb4: {  	_ =	strace $0x90000048  }
0xb5: {  	_ =	sfence  }
0xb6: {  	s30 =	sld [smem:$0x0];
	_ =	sdelay $0x2  }
0xb7: {  	s31 =	sshll.u32 s1, $0xD;
	s1 =	sshrl.u32 s1, $0x2  }
0xb8: {  	s3 =	sand.u32 $0x4000, s31;
	s1 =	sadd.s32 s1, s30  }
0xb9: {  	s0 =	sor.u32 s3, s0;
	s1 =	sshll.u32 s1, $0x11  }
0xba: {  	s0 =	sor.u32 s1, s0  }
0xbb: {  	s0 =	sadd.s32 $0x8F2B, s0  }
0xbc: {  	[sflag:s0] =	ssyncadd.remote.s32 $0x1  }
0xbd: {  	_ =	sfence.sel $0xFFFF  }
0xbe: {  	[dreg:$0x0] =	wrdreg $0xFFFFFFFF;
	(pc) =	sbr.abs _section_cstart, $3  }
0xbf: {  	[dreg:$0x1] =	wrdreg $0xFFFFFFFF  }
0xc0: {  	_ =	task.clear_ibuf [dreg:s6], $0x2FFFF;
	_ =	strace $0x9FFFFFFF  }
0xc1: {  	(tm) =	ssettm $0x7FFFFFFF  }
tec
execute0_lowered:
.L_overlay_start_1:
0x0: {  	(tag) =	ssettag $0x1  }
0x1: {  	s0 =	srdreg.scid;
	s5 =	rddreg [dreg:$0x0]  }
0x2: {  	s1 =	stileid.u32;
	s6 =	simm.s32 $0x1;
	s9 =	simm.s32 $0x1  }
0x3: {  	s10 =	simm.s32 $0x3;
	s13 =	simm.s32 $0x0;
	s2 =	sshll.u32 s0, $0xB  }
0x4: {  	s12 =	simm.s32 $0x0;
	s3 =	sshll.u32 s1, $0xC;
	s2 =	sand.u32 $0x800, s2  }
0x5: {  	s0 =	rddreg [dreg:$0x1];
	_ =	strace $0x80000047;
	s2 =	sor.u32 s3, s2  }
0x6: {  	s4 =	sadd.s32 $0x190000, s5;
	[sflag:s6] =	ssyncpa.u1 $0x0;
	s8 =	ssub.s32 $0x20000, s2  }
.Ltmp0:
0x7: {  	s3 =	sadd.s32 $0x90000, s5;
	s7 =	sand.u32 $0xF800, s8;
	(pc) =	sbr.rel .LBB2_1-.Ltmp0, $4  }
0x8: {  	s5 =	sadd.s32 $0x198000, s5;
	s11 =	smov.u32 s2;
	p0 =	sne.s32 s7, $0x0  }
0x9: {  	s8 =	sshrl.u32 s8, $0x10;
	s7 =	simm.s32 $0x2;
	s9 =	simm.s32 @!p0 $0x0  }
0xa: {  	[sflag:s7] =	ssyncpa.u1 $0x0;
	p0 =	por $0x0, $0x0;
	s8 =	sadd.s32 s9, s8  }
0xb: {  	vm0 =	vmmov $0xffff;
	[sflag:s10] =	ssyncpa.u1 $0x0;
	s10 =	simm.s32 $0x0;
	s9 =	sadd.s32 $0x1, s8  }
.LBB2_4:
0xc: {  	vm1 =	veq.s32 v0, $0x80000000;
	v63 =	vand.u32 $0x7FF, v0;
	v2 =	vand.u32 $0x7FF, v2  }
0xd: {  	v0 =	vsel vm1, $0xFFFFFFFF, v63;
	v2 =	vsel vm1, $0xFFFFFFFF, v2  }
0xe: {  	v3 =	vshll.u32 v0, $0xB;
	v4 =	vshll.u32 v2, $0x3  }
0xf: {  	v0 =	vshll.u32 v0, $0x7;
	v3 =	vand.u32 $0xFFFFC000, v3;
	v4 =	vand.u32 $0xFFFFFC00, v4  }
0x10: {  	v0 =	vand.u32 $0x380, v0;
	v3 =	vadd.s32 v3, v4  }
0x11: {  	v2 =	vand.u32 $0x7F, v2;
	v0 =	vor.u32 v0, v3  }
0x12: {  	v0 =	vor.u32 v2, v0;
	_ =	sdelay $0x1  }
0x13: {  	(ifvalue) =	ssetifvalue $0x7FFFFFFF;
	s14 =	sadd.s32 $0x10, s14  }
0x14: {  	[tilespmem:s14], [sflag:$0x1] =	stream.indirect_vreg.gather [hbm4b:s3+s10], $0x1, v1, vm0, $0x4038;
	[tilespmem:$0x2000] =	vst v63  }
0x15: {  	(ifvalue) =	ssetifvalue $0x7FFFFFFF;
	s14 =	sadd.s32 $0x10, s14  }
0x16: {  	[tilespmem:s14], [sflag:$0x1] =	stream.indirect_vreg.gather [hbm4b:s3+s10], $0x1, v0, vm0, $0x4038;
	[tilespmem:$0x2000] =	vst v63  }
0x17: {  	_ =	swait.ge [sflag:s6], $0x800  }
0x18: {  	s30 =	sshrl.u32 s13, $0x3;
	[sflag:s6] =	ssyncset.done $0x0  }
0x19: {  	s31 =	sand.u32 $0x7, s13;
	s14 =	sadd.s32 s5, s30;
	[sflag:s6] =	ssyncadd.s32 $0xFFFFF800  }
0x1a: {  	[hbm4b:s14+s31] =	stream.linear.scatter [tilespmem:s15], [sflag:$0x3], $0x800, $0x38;
	[tilespmem:$0x2000] =	vst v63  }
.LBB2_5:
0x1b: {  	s15 =	sadd.s32 $0x10000, s11  }
0x1c: {  	p2 =	sgt.s32 s15, $0x1FFFF  }
0x1d: {  	s15 =	smov.u32 @p2 s2;
	p2 =	sne.s32 s12, s9  }
.Ltmp1:
0x1e: {  	p1 =	slt.u32 s12, $0x2;
	(pc) =	sbr.rel @!p2 .LBB2_6-.Ltmp1, $4  }
0x1f: {  	s14 =	simm.s32 @!p1 $0x3  }
0x20: {  	s16 =	sadd.s32 $0x1, s12;
	_ =	swait.ge @!p1 [sflag:s14], $0x800  }
0x21: {  	s13 =	smov.u32 s11;
	p0 =	por !p0, !p0;
	[sflag:s14] =	ssyncset.done @!p1 $0x0  }
0x22: {  	s12 =	smov.u32 s16;
	s11 =	smov.u32 s15;
	[sflag:s14] =	ssyncadd.s32 @!p1 $0xFFFFF800  }
.LBB2_1:
0x23: {  	p1 =	sge.u32 s12, s8  }
0x24: {  	s14 =	sxor.u32 @!p1 $0xFFFFFFFF, s12  }
0x25: {  	s31 =	sadd.s32 $0xFFFFFFFF, s12;
	s15 =	sshrl.u32 @!p1 s11, $0x3;
	s14 =	sshll.u32 @!p1 s14, $0xB  }
0x26: {  	s16 =	sand.u32 @!p1 $0x7, s11;
	s15 =	sadd.s32 @!p1 s4, s15;
	s14 =	sand.u32 @!p1 $0x800, s14  }
0x27: {  	[tilespmem:s14], [sflag:$0x2] =	stream.linear.gather @!p1 [hbm4b:s15+s16], $0x800, $0x38;
	[tilespmem:$0x2000] =	vst v63  }
0x28: {  	p1 =	sge.u32 s31, s8  }
.Ltmp2:
0x29: {  	_ = 	snop;
	(pc) =	sbr.rel @p1 .LBB2_5-.Ltmp2, $1  }
0x2a: {  	_ =	sdelay $0x3  }
0x2b: {  	s14 =	simm.s32 $0x1  }
0x2c: {  	_ =	swait.ge [sflag:s7], $0x800;
	s14 =	simm.s32 @!p0 $0x0  }
0x2d: {  	[sflag:s7] =	ssyncset.done $0x0;
	s14 =	sshll.u32 s14, $0xB  }
0x2e: {  	[sflag:s7] =	ssyncadd.s32 $0xFFFFF800;
	(ifvalue) =	ssetifvalue $0x7FFFFFFF;
	v0 =	vld.msk [tilespmem:s14+$0x0 ss:$0x1], $0xffff;
	_ =	sdelay $0x3  }
0x2f: {  	s15 =	sadd.s32 $0x10, s14  }
0x30: {  	v2 =	vld.msk [tilespmem:s15+$0x0 ss:$0x1], $0xffff;
	v1 =	vshrl.u32 v0, $0xB  }
0x31: {  	vm1 =	veq.s32 v0, $0x80000000;
	v0 =	vand.u32 $0x7FF, v0;
	v1 =	vand.u32 $0x7FF, v1  }
0x32: {  	v0 =	vsel vm1, $0xFFFFFFFF, v0;
	v1 =	vsel vm1, $0xFFFFFFFF, v1  }
0x33: {  	v3 =	vshll.u32 v0, $0xB;
	v4 =	vshll.u32 v1, $0x3  }
0x34: {  	v0 =	vshll.u32 v0, $0x7;
	v3 =	vand.u32 $0xFFFFC000, v3;
	v4 =	vand.u32 $0xFFFFFC00, v4  }
0x35: {  	vm1 =	veq.s32 v2, $0x80000000;
	v0 =	vand.u32 $0x380, v0;
	v3 =	vadd.s32 v3, v4  }
0x36: {  	v1 =	vand.u32 $0x7F, v1;
	v0 =	vor.u32 v0, v3;
	v3 =	vshrl.u32 v2, $0xB  }
0x37: {  	s17 =	sadd.s32 $0x10, s15;
	v2 =	vand.u32 $0x7FF, v2;
	v1 =	vor.u32 v1, v0;
	v3 =	vand.u32 $0x7FF, v3  }
0x38: {  	v0 =	vld.msk [tilespmem:s17+$0x0 ss:$0x1], $0xffff;
	v2 =	vsel vm1, $0xFFFFFFFF, v2;
	v3 =	vsel vm1, $0xFFFFFFFF, v3  }
0x39: {  	v63 =	vshll.u32 v2, $0xB;
	v5 =	vshll.u32 v3, $0x3  }
0x3a: {  	s31 =	sshll.u32 s12, $0xB;
	v2 =	vshll.u32 v2, $0x7;
	v4 =	vand.u32 $0xFFFFC000, v63;
	v5 =	vand.u32 $0xFFFFFC00, v5  }
0x3b: {  	s14 =	sor.u32 $0x1000, s14;
	s15 =	sand.u32 $0x800, s31;
	(ifvalue) =	ssetifvalue $0x7FFFFFFF;
	v2 =	vand.u32 $0x380, v2;
	v4 =	vadd.s32 v4, v5  }
0x3c: {  	[tilespmem:s14], [sflag:$0x1] =	stream.indirect_vreg.gather [hbm4b:s3+s10], $0x1, v1, vm0, $0x4038;
	v1 =	vand.u32 $0x7F, v3;
	v3 =	vor.u32 v2, v4;
	[tilespmem:$0x2000] =	vst v63  }
0x3d: {  	s16 =	simm.s32 $0x20;
	s15 =	sor.u32 $0x1000, s15;
	s17 =	sadd.s32 $0x10, s17;
	v2 =	vshrl.u32 v0, $0xB;
	v1 =	vor.u32 v1, v3  }
.LBB2_3:
0x3e: {  	s16 =	sadd.s32 $0x10, s16;
	vm1 =	veq.s32 v0, $0x80000000;
	v3 =	vand.u32 $0x7FF, v0;
	v0 =	vld.msk [tilespmem:s17+$0x0 ss:$0x1], $0xffff;
	v2 =	vand.u32 $0x7FF, v2  }
0x3f: {  	p1 =	slt.u32 s16, $0x7F0;
	v3 =	vsel vm1, $0xFFFFFFFF, v3;
	v2 =	vsel vm1, $0xFFFFFFFF, v2  }
.Ltmp3:
0x40: {  	v4 =	vshll.u32 v3, $0xB;
	v5 =	vshll.u32 v2, $0x3;
	(pc) =	sbr.rel @p1 .LBB2_3-.Ltmp3, $4  }
0x41: {  	s14 =	sadd.s32 $0x10, s14;
	v3 =	vshll.u32 v3, $0x7;
	v4 =	vand.u32 $0xFFFFC000, v4;
	v5 =	vand.u32 $0xFFFFFC00, v5;
	(ifvalue) =	ssetifvalue $0x7FFFFFFF  }
0x42: {  	v3 =	vand.u32 $0x380, v3;
	v4 =	vadd.s32 v4, v5;
	[tilespmem:s14], [sflag:$0x1] =	stream.indirect_vreg.gather [hbm4b:s3+s10], $0x1, v1, vm0, $0x4038;
	[tilespmem:$0x2000] =	vst v63  }
0x43: {  	v1 =	vand.u32 $0x7F, v2;
	v3 =	vor.u32 v3, v4  }
0x44: {  	s17 =	sadd.s32 $0x10, s17;
	v2 =	vshrl.u32 v0, $0xB;
	v1 =	vor.u32 v1, v3  }
.Ltmp4:
0x45: {  	_ = 	snop;
	(pc) =	sbr.rel .LBB2_4-.Ltmp4, $1  }
0x46: {  	_ =	sdelay $0x3  }
.LBB2_6:
0x47: {  	_ =	sfence.sel $0x180000  }
0x48: {  	s2 =	simm.s32 $0x2;
	[bflag:$0x0] =	sbarrier.arrive $0xFFFF  }
0x49: {  	s30 =	simm.s32 $0x3;
	[sflag:s2] =	ssyncpa.u1 $0x1  }
0x4a: {  	s31 =	simm.s32 $0x1;
	[sflag:s30] =	ssyncpa.u1 $0x1  }
0x4b: {  	[sflag:s31] =	ssyncpa.u1 $0x1  }
0x4c: {  	p0 =	sne.s32 s1, $0x0;
	_ =	strace $0x90000047  }
0x4d: {  	s0 =	sadd.s32 @!p0 $0x100000, s0;
	[bflag:$0x2] =	sbarrier.arrive $0xFFFF  }
0x4e: {  	[sflag:s0] =	ssyncadd.tile.s32 @!p0 $0x1;
	_ =	shalt  }
.Lfunc_end2:
_tile_overlayer_lowered:
.L_overlay_start_2:
0x4f: {  	(tag) =	ssettag $0x2  }
0x50: {  	s0 =	rddreg [dreg:$0x0];
	s2 =	stileid.u32  }
0x51: {  	s1 =	rddreg [dreg:$0x1];
	p0 =	sne.s32 s2, $0x0  }
0x52: {  	s3 =	rddreg [dreg:$0x2];
	[bflag:$0x3] =	sbarrier.arrive $0xFFFF;
	s2 =	simm.s32 @!p0 $0x1C01  }
0x53: {  	[timem:s3], [sflag:s2] =	dma.local @!p0 [hbm:s0], s1  }
0x54: {  	s0 =	simm.s32 @!p0 $0x1  }
0x55: {  	_ =	swait.ge @!p0 [sflag:s0], s1  }
0x56: {  	s1 =	ssub.s32 @!p0 $0x0, s1;
	[sflag:s0] =	ssyncset.done @!p0 $0x0  }
0x57: {  	[sflag:s0] =	ssyncadd.s32 @!p0 s1  }
0x58: {  	[bflag:$0x3] =	sbarrier.arrive $0xFFFF  }
0x59: {  	_ =	shalt  }

// kernel: scatter_offload_async_start
scs
__scs_entry_jumppad:
0x0: {  	(pc) =	sbr.rel $0x88, $3  }
0x1: {  	(tag) =	ssettag $0x0;
	lr =	simm.s32 $0x1  }
0x2: {  	[smem:$0x3F93] =	sst lr;
	_ =	strace $0xD0000000  }
0x3: {  	_ = 	snop  }
0x4: {  	_ = 	snop  }
0x5: {  	_ = 	snop  }
0x6: {  	_ = 	snop  }
0x7: {  	_ = 	snop  }
__scs_overlays_trampoline_lowered:
0x8: {  	[smem:$0x3FA2] =	sst s0  }
0x9: {  	[smem:$0x3FA3] =	sst s1  }
0xa: {  	[smem:$0x3FA4] =	sst s2  }
0xb: {  	[smem:$0x3FA5] =	sst s3  }
0xc: {  	[smem:$0x3FA6] =	sst s4  }
0xd: {  	[smem:$0x3FA7] =	sst s5  }
0xe: {  	[smem:$0x3FA8] =	sst s6  }
0xf: {  	[smem:$0x3FA9] =	sst s7  }
0x10: {  	[smem:$0x3FAA] =	sst s8  }
0x11: {  	[smem:$0x3FAB] =	sst s9;
	s0 =	simm.s32 @!p0 $0x0  }
0x12: {  	s1 =	sld [smem:$0x3F91];
	s0 =	simm.s32 @p0 $0x1  }
0x13: {  	[smem:$0x3FAC] =	sst s0;
	s0 =	simm.s32 @!p1 $0x0  }
0x14: {  	s2 =	sld [smem:$0x3F90];
	s0 =	simm.s32 @p1 $0x1  }
0x15: {  	[smem:$0x3FAD] =	sst s0;
	s0 =	simm.s32 @!p2 $0x0  }
0x16: {  	s3 =	sld [smem:$0x3FDB];
	s0 =	simm.s32 @p2 $0x1  }
0x17: {  	s4 =	simm.s32 $0x1BF5;
	[smem:$0x3FAF] =	sst s0  }
0x18: {  	s0 =	sld [smem:$0x3F92];
	_ =	swait.ge [sflag:s4], $0x0  }
0x19: {  	s7 =	sld [smem:$0x3F93]  }
0x1a: {  	s8 =	sadd.s32 $0xFFFFE003, lr  }
0x1b: {  	s9 =	sadd.s32 $0xFFFFFEF7, lr;
	s5 =	simm.s32 $0xFFFFFFFF;
	p2 =	slt.u32 s8, $0xFFFFF086  }
0x1c: {  	p1 =	slt.u32 s9, $0xF7A;
	s5 =	simm.s32 @!p2 $0x0  }
0x1d: {  	s5 =	simm.s32 @p1 $0x1;
	p0 =	seq.s32 s7, s2  }
0x1e: {  	s7 =	smul.u32 @!p0 $0xF7A, s2;
	p2 =	seq.s32 @!p0 s5, $0x0  }
0x1f: {  	s9 =	smul.u32 $0xF7A, s1;
	s8 =	simm.s32 @!p0 $0x1BF5;
	p2 =	por !p2, p0  }
0x20: {  	[sflag:s8] =	ssyncset.s32 @!p0 $0xFFFFF086;
	s6 =	sadd.s32 @!p0 s3, s7;
	s7 =	simm.s32 @!p0 $0x108  }
0x21: {  	s3 =	sadd.s32 s3, s9;
	s6 =	sadd.s32 @!p0 $0x88, s6;
	s7 =	simm.s32 @p2 $0x1082  }
0x22: {  	[simem:s7], [sflag:s8] =	dma.local @!p0 [hbm:s6], $0xF7A  }
0x23: {  	s9 =	sor.u32 $0xD0000000, s2;
	s6 =	simm.s32 $0x108;
	_ =	swait.ge @!p0 [sflag:s8], $0x0  }
0x24: {  	s3 =	sadd.s32 $0x88, s3;
	s6 =	simm.s32 @!p1 $0x1082;
	[sflag:s4] =	ssyncset.s32 $0xFFFFF086  }
0x25: {  	[simem:s6], [sflag:s4] =	dma.local [hbm:s3], $0xF7A  }
0x26: {  	[smem:$0x3F93] =	sst s1;
	(tag) =	ssettag s2;
	_ =	strace s9  }
0x27: {  	s1 =	sld [smem:$0x3FA3]  }
0x28: {  	s2 =	sld [smem:$0x3FA4]  }
0x29: {  	s4 =	sld [smem:$0x3FA6]  }
0x2a: {  	p0 =	seq.s32 s5, $0x0;
	s5 =	sld [smem:$0x3FA7]  }
0x2b: {  	s6 =	sld [smem:$0x3FA8]  }
0x2c: {  	s7 =	sld [smem:$0x3FA9]  }
0x2d: {  	s3 =	simm.s32 $0x108;
	s8 =	sld [smem:$0x3FAA]  }
0x2e: {  	s3 =	simm.s32 @!p0 $0x1082;
	s9 =	sld [smem:$0x3FAB]  }
0x2f: {  	lr =	sadd.s32 s0, s3;
	s0 =	sld [smem:$0x3FA2]  }
0x30: {  	s3 =	sld [smem:$0x3FA5]  }
0x31: {  	[smem:$0x3FAE] =	sst s10  }
0x32: {  	s10 =	sld [smem:$0x3FAC];
	_ =	sdelay $0x3  }
0x33: {  	p0 =	seq.s32 s10, $0x1;
	s10 =	sld [smem:$0x3FAE];
	_ =	sdelay $0x3  }
0x34: {  	[smem:$0x3FAE] =	sst s10  }
0x35: {  	s10 =	sld [smem:$0x3FAD];
	_ =	sdelay $0x3  }
0x36: {  	p1 =	seq.s32 s10, $0x1;
	s10 =	sld [smem:$0x3FAE];
	_ =	sdelay $0x3  }
0x37: {  	[smem:$0x3FAE] =	sst s10  }
0x38: {  	s10 =	sld [smem:$0x3FAF]  }
0x39: {  	_ = 	snop;
	(pc) =	sbr.ind lr, $3  }
0x3a: {  	_ = 	snop  }
0x3b: {  	_ = 	snop  }
0x3c: {  	p2 =	seq.s32 s10, $0x1;
	s10 =	sld [smem:$0x3FAE]  }
0x3d: {  	_ =	shalt  }
0x3e: {  	_ =	shalt  }
0x3f: {  	_ =	shalt  }
0x40: {  	_ =	shalt  }
0x41: {  	_ =	shalt  }
0x42: {  	_ =	shalt  }
0x43: {  	_ =	shalt  }
0x44: {  	_ =	shalt  }
0x45: {  	_ =	shalt  }
0x46: {  	_ =	shalt  }
0x47: {  	_ =	shalt  }
0x48: {  	_ =	shalt  }
0x49: {  	_ =	shalt  }
0x4a: {  	_ =	shalt  }
0x4b: {  	_ =	shalt  }
0x4c: {  	_ =	shalt  }
0x4d: {  	_ =	shalt  }
0x4e: {  	_ =	shalt  }
0x4f: {  	_ =	shalt  }
0x50: {  	_ =	shalt  }
0x51: {  	_ =	shalt  }
0x52: {  	_ =	shalt  }
0x53: {  	_ =	shalt  }
0x54: {  	_ =	shalt  }
0x55: {  	_ =	shalt  }
0x56: {  	_ =	shalt  }
0x57: {  	_ =	shalt  }
0x58: {  	_ =	shalt  }
0x59: {  	_ =	shalt  }
0x5a: {  	_ =	shalt  }
0x5b: {  	_ =	shalt  }
0x5c: {  	_ =	shalt  }
0x5d: {  	_ =	shalt  }
0x5e: {  	_ =	shalt  }
0x5f: {  	_ =	shalt  }
0x60: {  	_ =	shalt  }
0x61: {  	_ =	shalt  }
0x62: {  	_ =	shalt  }
0x63: {  	_ =	shalt  }
0x64: {  	_ =	shalt  }
0x65: {  	_ =	shalt  }
0x66: {  	_ =	shalt  }
0x67: {  	_ =	shalt  }
0x68: {  	_ =	shalt  }
0x69: {  	_ =	shalt  }
0x6a: {  	_ =	shalt  }
0x6b: {  	_ =	shalt  }
0x6c: {  	_ =	shalt  }
0x6d: {  	_ =	shalt  }
0x6e: {  	_ =	shalt  }
0x6f: {  	_ =	shalt  }
0x70: {  	_ =	shalt  }
0x71: {  	_ =	shalt  }
0x72: {  	_ =	shalt  }
0x73: {  	_ =	shalt  }
0x74: {  	_ =	shalt  }
0x75: {  	_ =	shalt  }
0x76: {  	_ =	shalt  }
0x77: {  	_ =	shalt  }
0x78: {  	_ =	shalt  }
0x79: {  	_ =	shalt  }
0x7a: {  	_ =	shalt  }
0x7b: {  	_ =	shalt  }
0x7c: {  	_ =	shalt  }
0x7d: {  	_ =	shalt  }
0x7e: {  	_ =	shalt  }
0x7f: {  	_ =	shalt  }
0x80: {  	_ =	shalt  }
0x81: {  	_ =	shalt  }
0x82: {  	_ =	shalt  }
0x83: {  	_ =	shalt  }
0x84: {  	_ =	shalt  }
0x85: {  	_ =	shalt  }
0x86: {  	_ =	shalt  }
0x87: {  	_ =	shalt  }
.Lfunc_end0:
.L_simem_size_0:
called_computation_lowered:
.L_overlay_start_0:
0x88: {  	s0 =	sld [smem:$0x3FD9]  }
0x89: {  	s1 =	sld [smem:$0x3FFE];
	_ =	sdelay $0x3  }
0x8a: {  	s0 =	sadd.s32 s1, s0  }
0x8b: {  	[smem:$0x3FBA] =	sst s0  }
0x8c: {  	_ = 	snop  }
0x8d: {  	(tm) =	ssettm $0x1  }
0x8e: {  	s15 =	sld [smem:$0x3FFB];
	_ =	sdelay $0x3  }
0x8f: {  	_ =	strace s15  }
0x90: {  	s0 =	sld [smem:$0x3FFC];
	_ =	sdelay $0x3  }
0x91: {  	_ =	strace s0  }
0x92: {  	s0 =	sld [smem:$0x3FFD];
	_ =	sdelay $0x3  }
0x93: {  	_ =	strace s0  }
0x94: {  	_ =	strace $0x8FFFFFFF  }
0x95: {  	s16 =	sld [smem:$0x3FDB];
	_ =	sdelay $0x1  }
0x96: {  	s17 =	simm.s32 $_scs_section_size  }
0x97: {  	s2 =	simm.s32 $_size__tile_overlayer_lowered;
	s3 =	simm.s32 $_tile_overlayer_lowered  }
0x98: {  	s20 =	simm.s32 $0x1BFF;
	s19 =	sshll.u32 s3, $0x1;
	s0 =	sadd.s32 s17, s16  }
0x99: {  	s4 =	simm.s32 $0x0;
	s18 =	sshll.u32 s2, $0x1;
	s2 =	sadd.s32 s19, s0  }
0x9a: {  	[timem:s4], [sflag:s20] =	dma.local [hbm:s2], s18  }
0x9b: {  	_ =	swait.ge [sflag:s20], s18  }
0x9c: {  	s1 =	ssub.s32 $0x0, s18;
	[sflag:s20] =	ssyncset.done $0x0  }
0x9d: {  	[sflag:s20] =	ssyncadd.s32 s1;
	_ =	sdelay $0x1  }
0x9e: {  	s21 =	simm.s32 $0x1B8B  }
0x9f: {  	_ =	swait.ge [sflag:s21], $0x1  }
0xa0: {  	[sflag:s21] =	ssyncset.done $0x0  }
0xa1: {  	s23 =	simm.s32 $0x1B8E;
	s22 =	sld [smem:$0x3FFE];
	[sflag:s21] =	ssyncadd.s32 $0xFFFFFFFF  }
0xa2: {  	s24 =	simm.s32 $execute0_lowered;
	[smem:$0x3FD2] =	sst s23  }
0xa3: {  	s2 =	sshll.u32 s24, $0x1;
	_ =	strace $0x80000049;
	[dreg:$0x1] =	wrdreg $0xFFFFFFFF  }
0xa4: {  	s25 =	simm.s32 $_size_execute0_lowered;
	s0 =	sadd.s32 s0, s2;
	[dreg:$0x0] =	wrdreg $0x0  }
0xa5: {  	s2 =	sshll.u32 s25, $0x1;
	[dreg:$0x2] =	wrdreg s0  }
0xa6: {  	[dreg:$0x3] =	wrdreg s2  }
0xa7: {  	[dreg:$0x4] =	wrdreg $0xC0  }
0xa8: {  	_ =	task [dreg:s4], $0x5FFFF  }
0xa9: {  	[dreg:$0x1] =	wrdreg $0xFFFFFFFF  }
0xaa: {  	[dreg:$0x0] =	wrdreg $0x60  }
0xab: {  	[dreg:$0x2] =	wrdreg s22  }
0xac: {  	[dreg:$0x3] =	wrdreg $0x9  }
0xad: {  	_ =	task.clear_ibuf [dreg:s4], $0x4FFFF;
	_ =	strace $0x90000049  }
0xae: {  	s26 =	simm.s32 $0x9;
	_ =	strace $0x8000004B  }
0xaf: {  	_ =	swait.ge [sflag:s26], $0x1  }
0xb0: {  	[sflag:s26] =	ssyncadd.s32 $0xFFFFFFFF  }
0xb1: {  	_ =	strace $0x9000004B  }
0xb2: {  	_ =	sfence  }
0xb3: {  	s28 =	sld [smem:$0x0];
	_ =	sdelay $0x1  }
0xb4: {  	s29 =	srdreg.scid  }
0xb5: {  	s30 =	sshll.u32 s29, $0xD;
	s31 =	sshrl.u32 s29, $0x2  }
0xb6: {  	s1 =	sand.u32 $0x1, s29;
	s2 =	sand.u32 $0x4000, s30;
	s0 =	sadd.s32 s31, s28  }
0xb7: {  	s1 =	sor.u32 s2, s1;
	s0 =	sshll.u32 s0, $0x11  }
0xb8: {  	s0 =	sor.u32 s0, s1  }
0xb9: {  	s0 =	sadd.s32 $0x8F2B, s0  }
0xba: {  	[sflag:s0] =	ssyncadd.remote.s32 $0x1  }
0xbb: {  	_ =	sfence.sel $0xFFFF  }
0xbc: {  	[dreg:$0x0] =	wrdreg $0xFFFFFFFF;
	(pc) =	sbr.abs _section_cstart, $3  }
0xbd: {  	[dreg:$0x1] =	wrdreg $0xFFFFFFFF  }
0xbe: {  	_ =	task.clear_ibuf [dreg:s4], $0x2FFFF;
	_ =	strace $0x9FFFFFFF  }
0xbf: {  	(tm) =	ssettm $0x7FFFFFFF  }
tec
execute0_lowered:
.L_overlay_start_1:
0x0: {  	(tag) =	ssettag $0x1  }
0x1: {  	s0 =	rddreg [dreg:$0x0];
	_ =	strace $0x8000004A;
	s3 =	simm.s32 $0x1  }
0x2: {  	v1 =	vimm.s32 $0xFFFFFFFF;
	[sflag:s3] =	ssyncpa.u1 $0x0  }
0x3: {  	[tilespmem:$0x10] =	vst v1  }
0x4: {  	v0 =	vimm.f32 $-Inf;
	[tilespmem:$0x20] =	vst v1  }
0x5: {  	[tilespmem:$0x30] =	vst v0  }
0x6: {  	s2 =	simm.s32 $0x2;
	s6 =	simm.s32 $0x7;
	[tilespmem:$0x40] =	vst v0  }
0x7: {  	s26 =	stileid.u32;
	s7 =	simm.s32 $0x8;
	s31 =	simm.s32 $0x9;
	[tilespmem:$0x50] =	vst v0  }
0x8: {  	s14 =	simm.s32 $0x0;
	s15 =	simm.s32 $0x100;
	s19 =	simm.s32 $0x12100;
	[tilespmem:$0x60] =	vst v1  }
0x9: {  	s20 =	simm.s32 $0xF;
	s21 =	simm.s32 $0x50;
	s22 =	simm.s32 $0x80FF;
	[tilespmem:$0x70] =	vst v1  }
0xa: {  	s23 =	simm.s32 $0x20;
	s24 =	simm.s32 $0x30;
	s25 =	simm.s32 $0x100FF;
	[tilespmem:$0x80] =	vst v1  }
0xb: {  	s30 =	simm.s32 $0x0;
	s29 =	simm.s32 $0x0;
	s1 =	sadd.s32 $0x98000, s0;
	v1 =	vimm.s32 $0x0;
	[tilespmem:$0xB0] =	vst v0  }
.Ltmp0:
0xc: {  	s4 =	sadd.s32 $0x90000, s0;
	s5 =	sadd.s32 $0x94000, s0;
	[tilespmem:$0x90] =	vst v1;
	(pc) =	sbr.rel .LBB2_1-.Ltmp0, $4  }
0xd: {  	s8 =	sshll.u32 s26, $0xD;
	s10 =	sshll.u32 s26, $0x1;
	[tilespmem:$0xA0] =	vst v1;
	[sflag:s2] =	ssyncpa.u1 $0x0  }
0xe: {  	s12 =	sshllo.u32 s26, $0x1;
	s26 =	simm.s32 $0x80;
	[sflag:s6] =	ssyncpa.u1 $0x0  }
0xf: {  	vm0 =	vmmov $0xffff;
	v2 =	vlaneseq.u32;
	vm1 =	vmxor vm1, vm1;
	s9 =	sadd.s32 $0x2000, s8;
	s11 =	sor.u32 $0x81, s10;
	[sflag:s7] =	ssyncpa.u1 $0x0  }
0x10: {  	vm2 =	vmmov $0x1;
	v3 =	vimm.f32 $0.0e+00;
	vm3 =	vcmask $0x3F3C;
	s13 =	sor.u32 $0x80, s10;
	s28 =	smov.u32 s8;
	[sflag:s31] =	ssyncpa.u1 $0x0  }
.LBB2_3:
0x11: {  	s0 =	sshrl.u32 s28, $0x3  }
0x12: {  	s2 =	sand.u32 $0x7, s28;
	s0 =	sadd.s32 s4, s0  }
0x13: {  	[tilespmem:s15], [sflag:$0x7] =	stream.linear.gather [hbm4b:s0+s2], $0x2000, $0x38;
	[tilespmem:$0x12120] =	vst v63  }
.LBB2_4:
0x14: {  	s0 =	sadd.s32 $0x2000, s28  }
0x15: {  	s2 =	smov.u32 s8;
	s29 =	sadd.s32 $0x1, s29;
	p0 =	slt.s32 s0, s9  }
0x16: {  	s2 =	smov.u32 @p0 s0;
	p0 =	sne.s32 s29, $0x4  }
.Ltmp1:
0x17: {  	_ = 	snop;
	(pc) =	sbr.rel @!p0 .LBB2_13-.Ltmp1, $2  }
0x18: {  	_ =	sdelay $0x2  }
0x19: {  	s30 =	smov.u32 s28;
	s28 =	smov.u32 s2  }
.LBB2_1:
0x1a: {  	p0 =	sgt.s32 s29, $0x1  }
.Ltmp2:
0x1b: {  	_ = 	snop;
	(pc) =	sbr.rel @p0 .LBB2_11-.Ltmp2, $1  }
0x1c: {  	_ =	sdelay $0x3  }
0x1d: {  	p0 =	seq.s32 s29, $0x0  }
.Ltmp3:
0x1e: {  	_ = 	snop;
	(pc) =	sbr.rel @p0 .LBB2_3-.Ltmp3, $1  }
0x1f: {  	_ =	sdelay $0x3  }
0x20: {  	_ =	swait.ge [sflag:s6], $0x2000  }
0x21: {  	[sflag:s6] =	ssyncset.done $0x0  }
0x22: {  	[sflag:s6] =	ssyncadd.s32 $0xFFFFE000;
	(ifvalue) =	ssetifvalue $0xFFFFFFFF;
	v4 =	vld.msk [tilespmem:s15+$0x0 ss:$0x1], $0xffff;
	_ =	sdelay $0x4  }
0x23: {  	v5 =	vperm.xlane v4, v1  }
0x24: {  	vm4 =	vlt.u32 v4, $0x400000  }
0x25: {  	v4 =	vnsel vm4, $0xFFFFFFFE, v4;
	vm4 =	vlt.u32 v5, $0x400000  }
0x26: {  	[tilespmem:$0x70] =	vst v4;
	v4 =	vnsel vm4, $0xFFFFFFFE, v5  }
0x27: {  	s17 =	simm.s32 $0x20F0;
	[tilespmem:$0x80] =	vst v4  }
0x28: {  	v4 =	vld.msk [tilespmem:s17+$0x0 ss:$0x1], $0xffff;
	_ =	sdelay $0x4  }
0x29: {  	(xrf1) =	vunique.msk.u32 $0xffff, v4;
	_ =	sdelay $0xd  }
0x2a: {  	v5 =	vimm.s32 $0xFFFFFFFF;
	v6, _, _ =	vpop (xrf1)  }
0x2b: {  	vm5 =	vne.s32 v4, v5;
	vm4 =	veq.s32 v6, v2  }
0x2c: {  	vm6 =	vlt.u32 v4, $0x400000;
	vm4 =	vmand vm5, vm4  }
0x2d: {  	vm4 =	vmand vm6, vm4  }
0x2e: {  	v5 =	vnsel vm4, $0xFFFFFFFF, v4;
	_ =	sdelay $0x3  }
0x2f: {  	s0 =	simm.s32 $0x80F0;
	(ifvalue) =	ssetifvalue $0xFFFFFFFF  }
0x30: {  	v4 =	vperm.xlane v4, v1;
	[tilespmem:s0], [sflag:$0x8] =	stream.indirect_vreg.gather [hbm4b:s1+s14], $0x1, v5, vm0, $0x4038;
	v5 =	vnsel vm6, $0xFFFFFFFE, v5;
	[tilespmem:$0x12120] =	vst v63  }
0x31: {  	s2 =	simm.s32 $0x0;
	s16 =	simm.s32 $0x20E0;
	[tilespmem:s17+$0x0] =	vst v5  }
.LBB2_6:
0x32: {  	v5 =	vld.msk [tilespmem:s16+$0x0 ss:$0x1], $0xffff;
	s2 =	sadd.s32 $0x10, s2;
	v6 =	vmov v4;
	s17 =	smov.u32 s16  }
0x33: {  	p0 =	slt.u32 s2, $0x1FF0;
	_ =	sdelay $0x4  }
0x34: {  	v4 =	vperm.xlane v5, v1;
	(xrf1) =	vunique.msk.u32 $0xffff, v5;
	_ =	sdelay $0xd  }
0x35: {  	v7, _, _ =	vpop (xrf1)  }
0x36: {  	vm5 =	vne.s32 v5, v6;
	vm4 =	veq.s32 v7, v2  }
0x37: {  	vm6 =	vlt.u32 v5, $0x400000;
	vm4 =	vmand vm5, vm4  }
0x38: {  	vm4 =	vmand vm6, vm4  }
0x39: {  	v5 =	vnsel vm4, $0xFFFFFFFF, v5  }
.Ltmp4:
0x3a: {  	v6 =	vnsel vm6, $0xFFFFFFFE, v5;
	(pc) =	sbr.rel @p0 .LBB2_6-.Ltmp4, $3  }
0x3b: {  	_ =	sdelay $0x1  }
0x3c: {  	s16 =	sadd.s32 $0xFFFFFFF0, s16;
	s0 =	sadd.s32 $0xFFFFFFF0, s0;
	(ifvalue) =	ssetifvalue $0xFFFFFFFF  }
0x3d: {  	[tilespmem:s0], [sflag:$0x8] =	stream.indirect_vreg.gather [hbm4b:s1+s14], $0x1, v5, vm0, $0x4038;
	[tilespmem:s17+$0x0] =	vst v6  }
.Ltmp5:
0x3e: {  	(pc) =	sbr.rel .LBB2_4-.Ltmp5, $4  }
0x3f: {  	_ = 	snop  }
0x40: {  	s0 =	sshrl.u32 s30, $0x3  }
0x41: {  	s2 =	simm.s32 $0xA100;
	s0 =	sadd.s32 s5, s0  }
0x42: {  	[tilespmem:s2], [sflag:$0x8] =	stream.linear.gather [hbm:s0], $0x2000, $0x38;
	[tilespmem:$0x12120] =	vst v63  }
.LBB2_11:
0x43: {  	p0 =	seq.s32 s29, $0x2  }
.Ltmp6:
0x44: {  	_ = 	snop;
	(pc) =	sbr.rel @!p0 .LBB2_12-.Ltmp6, $1  }
0x45: {  	_ =	sdelay $0x3  }
0x46: {  	_ =	swait.ge [sflag:s7], $0x4000  }
0x47: {  	[sflag:s7] =	ssyncset.done $0x0  }
0x48: {  	s0 =	simm.s32 $0x20FF;
	[sflag:s7] =	ssyncadd.s32 $0xFFFFC000  }
0x49: {  	[spmem:s11] =	stream.linear.scatter [tilespmem:s0], [sflag:$0x1], $0x1, $0x38;
	[tilespmem:$0x12120] =	vst v63  }
0x4a: {  	_ =	swait.ge [sflag:s3], $0x1  }
0x4b: {  	[sflag:s3] =	ssyncset.done $0x0  }
0x4c: {  	[sflag:s3] =	ssyncadd.s32 $0xFFFFFFFF  }
0x4d: {  	v5 =	vld [tilespmem:$0x10]  }
0x4e: {  	v6 =	vld [tilespmem:$0x70]  }
0x4f: {  	v4 =	vld [tilespmem:$0x80];
	_ =	sdelay $0x2  }
0x50: {  	(v2sf) =	vpush v5, $0x0  }
0x51: {  	(v2sf) =	vpush v6, $0x0  }
0x52: {  	(v2sf) =	vpush v4, $0x0;
	_ =	sdelay $0xc  }
0x53: {  	s18 =	spop (v2sf)  }
0x54: {  	s2 =	spop (v2sf)  }
0x55: {  	s30 =	spop (v2sf)  }
0x56: {  	p0 =	seq.s32 s18, s2;
	p1 =	seq.s32 s30, s18  }
0x57: {  	p1 =	por p0, p1  }
0x58: {  	s2 =	simm.s32 $0x10;
	v5 =	vpsel p1, $0xFFFFFFFF, v5  }
0x59: {  	[tilespmem:s2+$0x0] =	vst.msk $0x1, v5  }
0x5a: {  	v5 =	vld [tilespmem:$0x30]  }
0x5b: {  	v6 =	vld [tilespmem:$0xA100]  }
0x5c: {  	v7 =	vld [tilespmem:$0x40];
	_ =	sdelay $0x2  }
0x5d: {  	vm4 =	vmmov vm1  }
0x5e: {  	vm5 =	vmmov vm2;
	s16 =	simm.s32 $0xA100;
	vm4 =	vmmov @p0 vm2;
	v6 =	vmax.f32 v5, v6  }
0x5f: {  	vm5 =	vmmov @p1 vm1;
	v5 =	vmax.f32 v5, v7;
	[tilespmem:s16+$0x0] =	vst.msk vm4, v6  }
0x60: {  	[tilespmem:s19+$0x0] =	vst.msk vm5, v5  }
0x61: {  	v5 =	vld [tilespmem:$0x80F0];
	_ =	sdelay $0x4  }
0x62: {  	v5 =	vshift.insert v5, v3, s20;
	_ =	sdelay $0x1  }
0x63: {  	v6 =	vimm.f32 $-Inf;
	[tilespmem:s21+$0x0] =	vst.msk $0x1, v5  }
0x64: {  	[tilespmem:s22+$0x0] =	vst.msk $0x1, v6  }
0x65: {  	v5 =	vld [tilespmem:$0x20F0];
	_ =	sdelay $0x4  }
0x66: {  	v5 =	vshift.insert v5, v1, s20;
	_ =	sdelay $0x1  }
0x67: {  	s17 =	simm.s32 $0x100;
	[tilespmem:s23+$0x0] =	vst.msk $0x1, v5  }
0x68: {  	v7 =	vld [tilespmem:s17+$0x0]  }
0x69: {  	v8 =	vld [tilespmem:s16+$0x0];
	_ =	sdelay $0x4  }
0x6a: {  	vm4 =	vne.s32 v7, $0xFFFFFFFF;
	v6 =	vmax.f32 v8, v6  }
0x6b: {  	(xrf0) =	vmax.seg.scan.f32 vm4, v6  }
0x6c: {  	s18 =	simm.s32 $0x6100;
	v8 =	vld [tilespmem:$0xA0]  }
0x6d: {  	v9 =	vld [tilespmem:s18+$0x0];
	_ =	sdelay $0x1  }
0x6e: {  	v6 =	vperm.xlane v5, v1;
	_ =	sdelay $0x1  }
0x6f: {  	vm6 =	veq.s32 v7, v4;
	vm7 =	veq.s32 v7, v6;
	vm5 =	veq.s32 v8, $0x1;
	v8, _, _ =	vpop (xrf0)  }
0x70: {  	vm8 =	vgt.u32 v7, $0xFFFFFFFD;
	vm7 =	vmor vm7, vm6;
	v9 =	vmax.f32 v8, v9  }
0x71: {  	s31 =	simm.s32 $0xE100;
	v10 =	vld [tilespmem:$0x90];
	vm7 =	vmor vm7, vm8;
	v9 =	vsel vm6, v8, v9  }
0x72: {  	[tilespmem:s31+$0x0] =	vst v9;
	v9 =	vsel vm7, $0xFFFFFFFF, v7;
	_ =	sdelay $0x1  }
0x73: {  	vm9 =	vmand vm4, vm3  }
0x74: {  	s0 =	simm.s32 $0x0;
	s2 =	simm.s32 $0xA110;
	s16 =	simm.s32 $0x110;
	v11 =	vsel vm9, $0xFF800000, v8  }
0x75: {  	s17 =	simm.s32 $0xE110;
	s18 =	simm.s32 $0x6110;
	vm4 =	vmor vm5, vm6;
	v7 =	vsel vm6, v8, v10;
	v8 =	vshift.insert v11, v0, s20;
	(ifvalue) =	ssetifvalue $0xFFFFFFFF  }
.LBB2_9:
0x76: {  	[hbm4b:s1+s14] =	stream.indirect_vreg.scatter [tilespmem:s31], [sflag:$0x2], $0x1, v9, vm0, $0x4038;
	[tilespmem:$0x12120] =	vst v63  }
0x77: {  	s0 =	sadd.s32 $0x10, s0;
	s31 =	smov.u32 s17;
	v9 =	vld [tilespmem:s16+$0x0]  }
0x78: {  	p0 =	slt.u32 s0, $0x1FF0;
	v10 =	vld [tilespmem:s2+$0x0];
	_ =	sdelay $0x4  }
0x79: {  	vm5 =	vne.s32 v9, $0xFFFFFFFF;
	v8 =	vmax.f32 v10, v8  }
0x7a: {  	(xrf0) =	vmax.seg.scan.f32 vm5, v8;
	_ =	sdelay $0x1  }
0x7b: {  	v8 =	vld [tilespmem:s18+$0x0]  }
0x7c: {  	vm6 =	veq.s32 v9, v4;
	vm7 =	veq.s32 v9, v6  }
0x7d: {  	vm8 =	vgt.u32 v9, $0xFFFFFFFD;
	vm4 =	vmor vm4, vm6;
	vm7 =	vmor vm7, vm6  }
0x7e: {  	vm7 =	vmor vm7, vm8  }
.Ltmp7:
0x7f: {  	vm5 =	vmand vm5, vm3;
	v9 =	vsel vm7, $0xFFFFFFFF, v9;
	v10, _, _ =	vpop (xrf0);
	(pc) =	sbr.rel @p0 .LBB2_9-.Ltmp7, $4  }
0x80: {  	v7 =	vsel vm6, v10, v7;
	v8 =	vmax.f32 v10, v8;
	v11 =	vsel vm5, $0xFF800000, v10  }
0x81: {  	v10 =	vsel vm6, v10, v8;
	v8 =	vshift.insert v11, v0, s20  }
0x82: {  	s16 =	sadd.s32 $0x10, s16;
	s2 =	sadd.s32 $0x10, s2;
	[tilespmem:s17+$0x0] =	vst v10  }
0x83: {  	s18 =	sadd.s32 $0x10, s18;
	s17 =	sadd.s32 $0x10, s17;
	(ifvalue) =	ssetifvalue $0xFFFFFFFF  }
0x84: {  	_ =	sdelay $0x3  }
0x85: {  	[hbm4b:s1+s14] =	stream.indirect_vreg.scatter [tilespmem:s31], [sflag:$0x2], $0x1, v9, vm0, $0x4038;
	[tilespmem:$0x12120] =	vst v63  }
0x86: {  	v4 =	vld [tilespmem:$0x100F0];
	_ =	sdelay $0x4  }
0x87: {  	v4 =	vshift.insert v4, v3, s20;
	_ =	sdelay $0x1  }
0x88: {  	[tilespmem:s24+$0x0] =	vst.msk $0x1, v4  }
0x89: {  	v4 =	vsel vm4, $0x1, v1;
	[tilespmem:$0x90] =	vst v7  }
0x8a: {  	[tilespmem:$0xA0] =	vst v4  }
0x8b: {  	[spmem:s12] =	stream.linear.scatter [tilespmem:s25], [sflag:$0x1], $0x1, $0x38;
	[tilespmem:$0x12120] =	vst v63  }
0x8c: {  	v4 =	vmctz.xlane vm4;
	_ =	swait.ge [sflag:s3], $0x1  }
0x8d: {  	(v2sf) =	vpush v5, $0x0  }
0x8e: {  	(v2sf) =	vpush v4, $0x0;
	_ =	sdelay $0xd  }
0x8f: {  	s0 =	spop (v2sf)  }
0x90: {  	s2 =	spop (v2sf)  }
0x91: {  	[sflag:s3] =	ssyncset.done $0x0;
	p0 =	sne.s32 s30, s0;
	p1 =	slt.s32 s2, $0xF  }
0x92: {  	[sflag:s3] =	ssyncadd.s32 $0xFFFFFFFF;
	v4 =	vimm.s32 @!p0 $0xFFFFFFFF;
	s2 =	simm.s32 @!p1 $0xF  }
0x93: {  	[tilespmem:$0x80] =	vst @!p0 v4;
	s31 =	sadd.s32 $0x90, s2  }
0x94: {  	[spmem:s10] =	stream.linear.scatter [tilespmem:s31], [sflag:$0x1], $0x1, $0x38;
	[tilespmem:$0x12120] =	vst v63  }
0x95: {  	_ =	swait.ge [sflag:s3], $0x1  }
0x96: {  	[sflag:s3] =	ssyncset.done $0x0  }
0x97: {  	[sflag:s3] =	ssyncadd.s32 $0xFFFFFFFF  }
0x98: {  	[spmem:s13] =	stream.linear.scatter [tilespmem:s26], [sflag:$0x1], $0x1, $0x38;
	[tilespmem:$0x12120] =	vst v63  }
0x99: {  	_ =	swait.ge [sflag:s3], $0x1  }
0x9a: {  	[sflag:s3] =	ssyncset.done $0x0  }
0x9b: {  	[sflag:s3] =	ssyncadd.s32 $0xFFFFFFFF;
	(ifvalue) =	ssetifvalue $0xFFFFFFFF;
	v4 =	vld [tilespmem:$0x10];
	_ =	sdelay $0x3  }
.Ltmp8:
0x9c: {  	_ = 	snop;
	(pc) =	sbr.rel .LBB2_4-.Ltmp8, $3  }
0x9d: {  	_ =	sdelay $0x1  }
0x9e: {  	(ifvalue) =	ssetifvalue $0xFFFFFFFF  }
0x9f: {  	[hbm4b:s1+s14] =	stream.indirect_vreg.scatter [tilespmem:s19], [sflag:$0x9], $0x1, v4, vm0, $0x4038;
	[tilespmem:$0x12120] =	vst v63  }
.LBB2_12:
0xa0: {  	s0 =	simm.s32 $0x2  }
0xa1: {  	_ =	swait.ge [sflag:s0], $0x2000  }
0xa2: {  	[sflag:s0] =	ssyncset.done $0x0  }
0xa3: {  	s31 =	simm.s32 $0x9;
	[sflag:s0] =	ssyncadd.s32 $0xFFFFE000  }
0xa4: {  	_ =	swait.ge [sflag:s31], $0x10  }
0xa5: {  	[sflag:s31] =	ssyncset.done $0x0  }
0xa6: {  	[sflag:s31] =	ssyncadd.s32 $0xFFFFFFF0  }
.LBB2_13:
0xa7: {  	_ =	sfence.sel $0x180000  }
0xa8: {  	s0 =	simm.s32 $0x7;
	[bflag:$0x0] =	sbarrier.arrive $0xFFFF  }
0xa9: {  	s26 =	simm.s32 $0x8;
	[sflag:s0] =	ssyncpa.u1 $0x1  }
0xaa: {  	s28 =	simm.s32 $0x9;
	[sflag:s26] =	ssyncpa.u1 $0x1  }
0xab: {  	[sflag:s28] =	ssyncpa.u1 $0x1  }
0xac: {  	_ =	sfence.stream.spmem  }
0xad: {  	s29 =	simm.s32 $0x3;
	[bflag:$0x0] =	sbarrier.arrive $0xFFFF  }
0xae: {  	s30 =	simm.s32 $0x4;
	[sflag:s29] =	ssyncpa.u1 $0x1  }
0xaf: {  	s31 =	simm.s32 $0x3C;
	s2 =	stileid.u32;
	[sflag:s30] =	ssyncpa.u1 $0x1  }
0xb0: {  	p0 =	sne.s32 s2, $0x0;
	[sflag:s31] =	ssyncpa.u1 $0x1  }
0xb1: {  	s0 =	simm.s32 @p0 $0x1;
	_ =	sfence @p0  }
0xb2: {  	[sflag:s0] =	ssyncpa.u1 @p0 $0x1;
	s0 =	simm.s32 @p0 $0x2  }
0xb3: {  	[sflag:s0] =	ssyncpa.u1 @p0 $0x1  }
0xb4: {  	_ =	strace @p0 $0x9000004A  }
0xb5: {  	[bflag:$0x2] =	sbarrier.arrive @p0 $0xFFFF  }
0xb6: {  	_ =	shalt @p0  }
.LBB2_14:
0xb7: {  	_ =	sfence.stream.spmem;
	s0 =	simm.s32 $0x5  }
0xb8: {  	s2 =	simm.s32 $0x80;
	s3 =	simm.s32 $0xC0;
	[sflag:s0] =	ssyncpa.u1 $0x0  }
0xb9: {  	[tilespmem:s3], [sflag:$0x5] =	stream.linear.gather [spmem:s2], $0x20, $0x38;
	[tilespmem:$0x12120] =	vst v63  }
0xba: {  	s30 =	simm.s32 $0xE0;
	s2 =	simm.s32 $0x0  }
0xbb: {  	[tilespmem:s30], [sflag:$0x5] =	stream.linear.gather [spmem:s2], $0x20, $0x38;
	[tilespmem:$0x12120] =	vst v63  }
.Ltmp9:
0xbc: {  	_ = 	snop;
	(pc) =	sbr.rel .LBB2_15-.Ltmp9, $4  }
0xbd: {  	_ =	swait.ge [sflag:s0], $0x40  }
0xbe: {  	[sflag:s0] =	ssyncset.done $0x0  }
0xbf: {  	s31 =	simm.s32 $0x6;
	[sflag:s0] =	ssyncadd.s32 $0xFFFFFFC0  }
0xc0: {  	s3 =	simm.s32 $0x0;
	[sflag:s31] =	ssyncpa.u1 $0x0  }
.LBB2_20:
0xc1: {  	p0 =	sgt.u32 s4, $0x3FFFFF  }
0xc2: {  	s0 =	sshrl.u32 @!p0 s4, $0x3  }
0xc3: {  	s4 =	sand.u32 @!p0 $0x7, s4;
	s5 =	simm.s32 @!p0 $0xB0;
	s0 =	sadd.s32 @!p0 s1, s0  }
0xc4: {  	[tilespmem:s5], [sflag:$0x6] =	stream.linear.gather @!p0 [hbm4b:s0+s4], $0x1, $0x38;
	[tilespmem:$0x12120] =	vst v63  }
0xc5: {  	s0 =	simm.s32 @!p0 $0x6  }
0xc6: {  	_ =	swait.ge @!p0 [sflag:s0], $0x1  }
0xc7: {  	[sflag:s0] =	ssyncset.done @!p0 $0x0  }
0xc8: {  	[sflag:s0] =	ssyncadd.s32 @!p0 $0xFFFFFFFF  }
0xc9: {  	v1 =	vld.msk @!p0 [tilespmem:$0xB0], $0x1  }
0xca: {  	v2 =	vld.msk @!p0 [tilespmem:s3+$0xE0], $0x1;
	_ =	sdelay $0x4  }
0xcb: {  	v1 =	vmax.f32 @!p0 v2, v1  }
0xcc: {  	[tilespmem:s3+$0xE0] =	vst.msk @!p0 $0x1, v1  }
0xcd: {  	[tilespmem:s2+$0xC0] =	vst.msk $0x1, v0  }
0xce: {  	v0 =	vld.msk [tilespmem:s3+$0xE0], $0x1;
	_ =	sdelay $0x4  }
0xcf: {  	[tilespmem:s2+$0xE0] =	vst.msk $0x1, v0;
	s2 =	sadd.s32 $0x1, s2  }
.LBB2_22:
0xd0: {  	s3 =	sadd.s32 $0x1, s3  }
0xd1: {  	p0 =	sne.s32 s3, $0x20  }
.Ltmp10:
0xd2: {  	_ = 	snop;
	(pc) =	sbr.rel @!p0 .LBB2_23-.Ltmp10, $1  }
0xd3: {  	_ =	sdelay $0x3  }
.LBB2_15:
0xd4: {  	v0 =	vld.msk [tilespmem:s3+$0xC0], $0x1;
	_ =	sdelay $0x4  }
0xd5: {  	(v2sf) =	vpush v0, $0x0;
	_ =	sdelay $0xe  }
0xd6: {  	s4 =	spop (v2sf)  }
0xd7: {  	p0 =	seq.s32 s4, $0xFFFFFFFF  }
.Ltmp11:
0xd8: {  	_ = 	snop;
	(pc) =	sbr.rel @p0 .LBB2_22-.Ltmp11, $1  }
0xd9: {  	_ =	sdelay $0x3  }
0xda: {  	p0 =	slt.s32 s2, $0x1  }
.Ltmp12:
0xdb: {  	_ = 	snop;
	(pc) =	sbr.rel @p0 .LBB2_20-.Ltmp12, $1  }
0xdc: {  	_ =	sdelay $0x3  }
0xdd: {  	s0 =	simm.s32 $0xC0;
	p0 =	por $0x0, $0x0  }
0xde: {  	v1 =	vld.msk @!p0 [tilespmem:s0+$0x0], $0x1;
	_ =	sdelay $0x4  }
0xdf: {  	(v2sf) =	vpush @!p0 v1, $0x0;
	_ =	sdelay $0xd  }
0xe0: {  	p2 =	sne.s32 s2, $0x1  }
.Ltmp13:
0xe1: {  	s5 =	spop @!p0 (v2sf);
	(pc) =	sbr.rel @!p2 .LBB2_19-.Ltmp13, $4  }
0xe2: {  	p1 =	seq.s32 @!p0 s4, s5  }
0xe3: {  	s5 =	simm.s32 $0x0;
	p1 =	por !p1, p0  }
0xe4: {  	s7 =	simm.s32 $0xFFFFFFFF;
	s5 =	simm.s32 @p1 $0xFFFFFFFF  }
0xe5: {  	s6 =	simm.s32 $0x1;
	s5 =	smov.u32 @p0 s7  }
.LBB2_18:
0xe6: {  	s7 =	smov.u32 s5;
	p0 =	sne.s32 s5, $0xFFFFFFFF  }
0xe7: {  	s0 =	sadd.s32 $0x1, s0;
	s5 =	smov.u32 s6;
	s6 =	sadd.s32 $0x1, s6  }
0xe8: {  	p1 =	sne.s32 s2, s6;
	v1 =	vld.msk @!p0 [tilespmem:s0+$0x0], $0x1;
	_ =	sdelay $0x4  }
0xe9: {  	(v2sf) =	vpush @!p0 v1, $0x0;
	_ =	sdelay $0xe  }
.Ltmp14:
0xea: {  	s8 =	spop @!p0 (v2sf);
	(pc) =	sbr.rel @p1 .LBB2_18-.Ltmp14, $4  }
0xeb: {  	p2 =	seq.s32 @!p0 s4, s8  }
0xec: {  	p2 =	por !p2, p0  }
0xed: {  	s5 =	simm.s32 @p2 $0xFFFFFFFF  }
0xee: {  	s5 =	smov.u32 @p0 s7  }
.LBB2_19:
0xef: {  	p0 =	sne.s32 s5, $0xFFFFFFFF  }
.Ltmp15:
0xf0: {  	_ = 	snop;
	(pc) =	sbr.rel @!p0 .LBB2_20-.Ltmp15, $1  }
0xf1: {  	_ =	sdelay $0x3  }
0xf2: {  	v0 =	vld.msk [tilespmem:s3+$0xE0], $0x1  }
0xf3: {  	v1 =	vld.msk [tilespmem:s5+$0xE0], $0x1;
	_ =	sdelay $0x1  }
.Ltmp16:
0xf4: {  	_ = 	snop;
	(pc) =	sbr.rel .LBB2_22-.Ltmp16, $3  }
0xf5: {  	_ =	sdelay $0x1  }
0xf6: {  	v0 =	vmax.f32 v1, v0  }
0xf7: {  	[tilespmem:s5+$0xE0] =	vst.msk $0x1, v0  }
.LBB2_23:
0xf8: {  	p0 =	slt.s32 s2, $0x1  }
.Ltmp17:
0xf9: {  	_ = 	snop;
	(pc) =	sbr.rel @p0 .LBB2_27-.Ltmp17, $3  }
0xfa: {  	_ =	sdelay $0x1  }
0xfb: {  	s0 =	simm.s32 $0x6  }
0xfc: {  	s3 =	simm.s32 $0x0;
	[sflag:s0] =	ssyncpa.u1 $0x1  }
0xfd: {  	s0 =	simm.s32 $0xC0  }
0xfe: {  	v0 =	vld.msk [tilespmem:s0+$0x0], $0x1;
	_ =	sdelay $0x4  }
0xff: {  	(v2sf) =	vpush v0, $0x0;
	_ =	sdelay $0xe  }
0x100: {  	s2 =	sadd.s32 $0xFFFFFFFF, s2;
	s4 =	spop (v2sf)  }
0x101: {  	p1 =	sne.s32 s2, $0x0;
	p0 =	sgt.u32 s4, $0x3FFFFF  }
.Ltmp18:
0x102: {  	s5 =	sshrl.u32 @!p0 s4, $0x3;
	(pc) =	sbr.rel @!p1 .LBB2_26-.Ltmp18, $4  }
0x103: {  	s0 =	simm.s32 $0xE0;
	s4 =	sand.u32 @!p0 $0x7, s4;
	s5 =	sadd.s32 @!p0 s1, s5  }
0x104: {  	[hbm4b:s5+s4] =	stream.linear.scatter @!p0 [tilespmem:s0], [sflag:$0x5], $0x1, $0x38;
	[tilespmem:$0x12120] =	vst v63  }
0x105: {  	s5 =	simm.s32 $0x0  }
0x106: {  	s4 =	simm.s32 $0xC1;
	s5 =	simm.s32 @!p0 $0x4  }
.LBB2_25:
0x107: {  	v0 =	vld.msk [tilespmem:s4+$0x0], $0x1;
	s2 =	sadd.s32 $0xFFFFFFFF, s2;
	s3 =	sadd.s32 s3, s5  }
0x108: {  	p0 =	sne.s32 s2, $0x0;
	_ =	sdelay $0x3  }
0x109: {  	(v2sf) =	vpush v0, $0x0;
	_ =	sdelay $0xe  }
.Ltmp19:
0x10a: {  	s6 =	spop (v2sf);
	(pc) =	sbr.rel @p0 .LBB2_25-.Ltmp19, $4  }
0x10b: {  	s5 =	simm.s32 $0x0;
	p1 =	sgt.u32 s6, $0x3FFFFF  }
0x10c: {  	s0 =	sadd.s32 $0x1, s0;
	s5 =	simm.s32 @!p1 $0x4;
	s7 =	sshrl.u32 @!p1 s6, $0x3  }
0x10d: {  	s4 =	sadd.s32 $0x1, s4;
	s6 =	sand.u32 @!p1 $0x7, s6;
	s7 =	sadd.s32 @!p1 s1, s7  }
0x10e: {  	[hbm4b:s7+s6] =	stream.linear.scatter @!p1 [tilespmem:s0], [sflag:$0x5], $0x1, $0x38;
	[tilespmem:$0x12120] =	vst v63  }
.LBB2_26:
0x10f: {  	s0 =	sadd.s32 s3, s5  }
0x110: {  	s3 =	sshrl.u32 s0, $0x2  }
.LBB2_27:
0x111: {  	s0 =	simm.s32 $0x5  }
0x112: {  	_ =	swait.ge [sflag:s0], s3  }
0x113: {  	s1 =	ssub.s32 $0x0, s3;
	[sflag:s0] =	ssyncset.done $0x0  }
0x114: {  	[sflag:s0] =	ssyncadd.s32 s1  }
0x115: {  	[sflag:s0] =	ssyncpa.u1 $0x1  }
0x116: {  	s29 =	simm.s32 $0x1;
	_ =	sfence  }
0x117: {  	s30 =	simm.s32 $0x2;
	[sflag:s29] =	ssyncpa.u1 $0x1  }
0x118: {  	[sflag:s30] =	ssyncpa.u1 $0x1  }
0x119: {  	_ =	strace $0x9000004A  }
0x11a: {  	[bflag:$0x2] =	sbarrier.arrive $0xFFFF  }
0x11b: {  	s31 =	rddreg [dreg:$0x1]  }
0x11c: {  	s0 =	sadd.s32 $0x100000, s31  }
0x11d: {  	[sflag:s0] =	ssyncadd.tile.s32 $0x1;
	_ =	shalt  }
.Lfunc_end2:
_tile_overlayer_lowered:
.L_overlay_start_2:
0x11e: {  	(tag) =	ssettag $0x2  }
0x11f: {  	s0 =	rddreg [dreg:$0x0];
	s2 =	stileid.u32  }
0x120: {  	s1 =	rddreg [dreg:$0x1];
	p0 =	sne.s32 s2, $0x0  }
0x121: {  	s3 =	rddreg [dreg:$0x2];
	[bflag:$0x3] =	sbarrier.arrive $0xFFFF;
	s2 =	simm.s32 @!p0 $0x1C01  }
0x122: {  	[timem:s3], [sflag:s2] =	dma.local @!p0 [hbm:s0], s1  }
0x123: {  	s0 =	simm.s32 @!p0 $0x1  }
0x124: {  	_ =	swait.ge @!p0 [sflag:s0], s1  }
0x125: {  	s1 =	ssub.s32 @!p0 $0x0, s1;
	[sflag:s0] =	ssyncset.done @!p0 $0x0  }
0x126: {  	[sflag:s0] =	ssyncadd.s32 @!p0 s1  }
0x127: {  	[bflag:$0x3] =	sbarrier.arrive $0xFFFF  }
0x128: {  	_ =	shalt  }

</sc_bundles>
